<compile_context>
chip_gen: v7x
topology: tpu7x:2x2x1
jax: 0.10.2.dev20260603
libtpu: 0.0.44.dev20260713+nightly
codegen_flags: <defaults>
</compile_context>

<pallas_src>
import jax
import jax.numpy as jnp
from jax import lax
from jax.experimental import pallas as pl
from jax.experimental.pallas import tpu as pltpu
from jax.experimental.pallas import tpu_sc as plsc

NHEAD = 16
NBUCKET = 5
NC = 2
NS = 16
LANES = 16
NW = NC * NS

BR = 8
BC = 256


def _make_sc_call(l):
  rows_per_w = l // NW
  nslabs = rows_per_w // BR
  nchunks = l // BC
  nblocks = nslabs * nchunks
  assert nblocks % 2 == 0
  mesh = plsc.VectorSubcoreMesh(core_axis_name="c", subcore_axis_name="s")

  def body(bucket_hbm, table_hbm, out_hbm, table_v,
           bucket0, bucket1, out0, out1,
           in_sem0, in_sem1, out_sem0, out_sem1):
    wid = lax.axis_index("s") * NC + lax.axis_index("c")
    row0 = wid * rows_per_w
    pltpu.sync_copy(table_hbm, table_v)

    buckets = (bucket0, bucket1)
    outs = (out0, out1)
    in_sems = (in_sem0, in_sem1)
    out_sems = (out_sem0, out_sem1)

    def rowslice(blk):
      return pl.ds(row0 + (blk // nchunks) * BR, BR)

    def colslice(blk):
      return pl.ds((blk % nchunks) * BC, BC)

    def in_src(blk):
      return bucket_hbm.at[rowslice(blk), colslice(blk)]

    def out_dst(blk):
      return out_hbm.at[:, rowslice(blk), colslice(blk)]

    for s in range(2):
      pltpu.async_copy(in_src(s), buckets[s], in_sems[s])

    def blk2_body(i0, carry):
      for s in range(2):
        blk = i0 * 2 + s
        bucket_v, out_v = buckets[s], outs[s]
        pltpu.make_async_copy(in_src(blk), bucket_v, in_sems[s]).wait()

        @pl.when(blk >= 2)
        def _():
          pltpu.make_async_copy(out_v, out_dst(blk - 2), out_sems[s]).wait()

        @plsc.parallel_loop(0, BR * BC // LANES, step=1)
        def vec_body(v):
          r = v >> 4
          c = (v & (BC // LANES - 1)) * LANES
          bvec = bucket_v[r, pl.ds(c, LANES)]
          for h in range(NHEAD):
            idx = bvec + (h * NBUCKET)
            out_v[h, r, pl.ds(c, LANES)] = plsc.load_gather(table_v, [idx])

        @pl.when(blk + 2 < nblocks)
        def _():
          pltpu.async_copy(in_src(blk + 2), bucket_v, in_sems[s])

        pltpu.async_copy(out_v, out_dst(blk), out_sems[s])
      return carry

    lax.fori_loop(0, nblocks // 2, blk2_body, 0)
    for s in range(2):
      pltpu.make_async_copy(outs[s], out_dst(nblocks - 2 + s), out_sems[s]).wait()

  return pl.kernel(
      body,
      out_type=jax.ShapeDtypeStruct((NHEAD, l, l), jnp.float32),
      mesh=mesh,
      scratch_types=[
          pltpu.VMEM((128,), jnp.float32),
          pltpu.VMEM((BR, BC), jnp.int32),
          pltpu.VMEM((BR, BC), jnp.int32),
          pltpu.VMEM((NHEAD, BR, BC), jnp.float32),
          pltpu.VMEM((NHEAD, BR, BC), jnp.float32),
          pltpu.SemaphoreType.DMA,
          pltpu.SemaphoreType.DMA,
          pltpu.SemaphoreType.DMA,
          pltpu.SemaphoreType.DMA,
      ],
      compiler_params=pltpu.CompilerParams(
          needs_layout_passes=False, use_tc_tiling_on_sc=True),
  )


@jax.jit
def kernel(bucket_matrix, bias_table):
  b, l, l2 = bucket_matrix.shape
  bm = bucket_matrix.astype(jnp.int32).reshape(l, l2)
  table = jnp.pad(bias_table.astype(jnp.float32).reshape(NHEAD * NBUCKET),
                  (0, 128 - NHEAD * NBUCKET))
  out = _make_sc_call(l)(bm, table)
  return out.reshape(b, NHEAD, l, l2)

# --- scband reference (transcript-rebuilt; emitter-appended) ---
"""Pipeline reference for scband-taxonomy-bias-params-47304769798584 (READ-ONLY COPY).

The authoritative reference and input builder live on the scoring server;
editing this copy changes nothing except your own understanding.
"""

import jax, jax.numpy as jnp
import numpy as np

NHEAD = 16
NUM_BUCKETS = 5
B, L = 1, 2048


def setup_inputs(seed: int = 0) -> dict:
    key = jax.random.key(seed)
    k1, k2 = jax.random.split(key)
    bucket_matrix = jax.random.randint(k1, (B, L, L), 0, NUM_BUCKETS, dtype=jnp.int64 if jax.config.jax_enable_x64 else jnp.int32)
    # Module initializes bias_table to zeros; use small random values so the
    # gather is observable in the output.
    bias_table = jax.random.normal(k2, (NHEAD, NUM_BUCKETS), dtype=jnp.float32) * 0.02
    return {"bucket_matrix": bucket_matrix, "bias_table": bias_table}


def reference(bucket_matrix, bias_table):
    # bias_table[:, bucket_matrix.long()] -> [nhead, B, L, L]
    gathered = jnp.take(bias_table, bucket_matrix.astype(jnp.int32), axis=1)
    # permute(1, 0, 2, 3) -> [B, nhead, L, L]
    attn_bias = jnp.transpose(gathered, (1, 0, 2, 3))
    return attn_bias

if __name__ == "__main__":
    import jax
    _d = setup_inputs()
    print(jax.jit(kernel)(*tuple(_d.values())))

</pallas_src>

<mosaic_0001>
#map = affine_map<(d0, d1) -> (0, 0)>
#map1 = affine_map<(d0, d1) -> (0)>
#map2 = affine_map<(d0, d1) -> (0, 0, 0)>
module attributes {stable_mosaic.version = 14 : i64} {
  func.func @body(%arg0: i32, %arg1: i32, %arg2: memref<2048x2048xi32, #tpu.memory_space<hbm>>, %arg3: memref<128xf32, #tpu.memory_space<hbm>>, %arg4: memref<16x2048x2048xf32, #tpu.memory_space<hbm>>, %arg5: memref<128xf32, #tpu.memory_space<vmem>>, %arg6: memref<8x256xi32, #tpu.memory_space<vmem>>, %arg7: memref<8x256xi32, #tpu.memory_space<vmem>>, %arg8: memref<16x8x256xf32, #tpu.memory_space<vmem>>, %arg9: memref<16x8x256xf32, #tpu.memory_space<vmem>>, %arg10: memref<!tpu.dma_semaphore, #tpu.memory_space<semaphore_mem>>, %arg11: memref<!tpu.dma_semaphore, #tpu.memory_space<semaphore_mem>>, %arg12: memref<!tpu.dma_semaphore, #tpu.memory_space<semaphore_mem>>, %arg13: memref<!tpu.dma_semaphore, #tpu.memory_space<semaphore_mem>>) attributes {dimension_semantics = [#tpu.dimension_semantics<core_parallel>, #tpu.dimension_semantics<subcore_parallel>], iteration_bounds = array<i64: 2, 16>, scalar_prefetch = 0 : i64, scratch_operands = 9 : i64, tpu.core_type = #tpu.core_type<sc_vector_subcore>, window_params = [{transform_indices = #map}, {transform_indices = #map1}, {transform_indices = #map2}]} {
    %mul3A = arith.constant 2 : i32
    %mul3A_0 = arith.muli %arg1, %mul3A : i32
    %add3A = arith.addi %mul3A_0, %arg0 : i32
    %mul3A_1 = arith.constant 64 : i32
    %mul3A_2 = arith.muli %add3A, %mul3A_1 : i32
    "tpu.region"() ({
      %run_scoped3A = tpu.sem_alloc : memref<!tpu.dma_semaphore, #tpu.memory_space<semaphore_mem>>
      tpu.enqueue_dma source(%arg3 : memref<128xf32, #tpu.memory_space<hbm>>) target(%arg5 : memref<128xf32, #tpu.memory_space<vmem>>) target_semaphore(%run_scoped3A : memref<!tpu.dma_semaphore, #tpu.memory_space<semaphore_mem>>)
      tpu.wait_dma2 semaphore(%run_scoped3A : memref<!tpu.dma_semaphore, #tpu.memory_space<semaphore_mem>>) src(%arg3 : memref<128xf32, #tpu.memory_space<hbm>>) dst(%arg5 : memref<128xf32, #tpu.memory_space<vmem>>)
      tpu.yield
    }) : () -> ()
    %add3A_3 = arith.constant 0 : i32
    %add3A_4 = arith.addi %mul3A_2, %add3A_3 : i32
    %dma_start3A = arith.constant 0 : i32
    %dma_start3A_5 = tpu.memref_slice %arg2[%add3A_4, %dma_start3A] : memref<2048x2048xi32, #tpu.memory_space<hbm>> -> memref<8x256xi32, #tpu.memory_space<hbm>>
    %dma_start3A_6 = arith.constant 0 : i32
    %dma_start3A_7 = tpu.memref_slice %arg2[%add3A_4, %dma_start3A_6] : memref<2048x2048xi32, #tpu.memory_space<hbm>> -> memref<8x256xi32, #tpu.memory_space<hbm>>
    tpu.enqueue_dma source(%dma_start3A_7 : memref<8x256xi32, #tpu.memory_space<hbm>>) target(%arg6 : memref<8x256xi32, #tpu.memory_space<vmem>>) target_semaphore(%arg10 : memref<!tpu.dma_semaphore, #tpu.memory_space<semaphore_mem>>)
    %add3A_8 = arith.constant 0 : i32
    %add3A_9 = arith.addi %mul3A_2, %add3A_8 : i32
    %dma_start3A_10 = arith.constant 256 : i32
    %dma_start3A_11 = tpu.memref_slice %arg2[%add3A_9, %dma_start3A_10] : memref<2048x2048xi32, #tpu.memory_space<hbm>> -> memref<8x256xi32, #tpu.memory_space<hbm>>
    %dma_start3A_12 = arith.constant 256 : i32
    %dma_start3A_13 = tpu.memref_slice %arg2[%add3A_9, %dma_start3A_12] : memref<2048x2048xi32, #tpu.memory_space<hbm>> -> memref<8x256xi32, #tpu.memory_space<hbm>>
    tpu.enqueue_dma source(%dma_start3A_13 : memref<8x256xi32, #tpu.memory_space<hbm>>) target(%arg7 : memref<8x256xi32, #tpu.memory_space<vmem>>) target_semaphore(%arg11 : memref<!tpu.dma_semaphore, #tpu.memory_space<semaphore_mem>>)
    %scan3A = arith.constant 0 : i32
    %scan3A_14 = arith.constant 0 : i32
    %scan3A_15 = arith.constant 32 : i32
    %scan3A_16 = arith.addi %scan3A_14, %scan3A_15 : i32
    %scan3A_17 = arith.constant 1 : i32
    scf.for %scan3A_34 = %scan3A_14 to %scan3A_16 step %scan3A_17  : i32 {
      %mul3A_35 = arith.constant 2 : i32
      %mul3A_36 = arith.muli %scan3A_34, %mul3A_35 : i32
      %add3A_37 = arith.constant 0 : i32
      %add3A_38 = arith.addi %mul3A_36, %add3A_37 : i32
      %jit3A = arith.constant 8 : i32
      %div3A = arith.divsi %add3A_38, %jit3A : i32
      %sign3A = arith.constant 0 : i32
      %sign3A_39 = arith.cmpi sgt, %add3A_38, %sign3A : i32
      %sign3A_40 = arith.extui %sign3A_39 : i1 to i32
      %sign3A_41 = arith.constant 0 : i32
      %sign3A_42 = arith.cmpi slt, %add3A_38, %sign3A_41 : i32
      %sign3A_43 = arith.extui %sign3A_42 : i1 to i32
      %sign3A_44 = arith.subi %sign3A_40, %sign3A_43 : i32
      %sign3A_45 = arith.constant 0 : i32
      %sign3A_46 = arith.cmpi sgt, %jit3A, %sign3A_45 : i32
      %sign3A_47 = arith.extui %sign3A_46 : i1 to i32
      %sign3A_48 = arith.constant 0 : i32
      %sign3A_49 = arith.cmpi slt, %jit3A, %sign3A_48 : i32
      %sign3A_50 = arith.extui %sign3A_49 : i1 to i32
      %sign3A_51 = arith.subi %sign3A_47, %sign3A_50 : i32
      %ne3A = arith.cmpi ne, %sign3A_44, %sign3A_51 : i32
      %rem3A = arith.remsi %add3A_38, %jit3A : i32
      %ne3A_52 = arith.constant 0 : i32
      %ne3A_53 = arith.cmpi ne, %rem3A, %ne3A_52 : i32
      %and3A = arith.andi %ne3A, %ne3A_53 : i1
      %sub3A = arith.constant 1 : i32
      %sub3A_54 = arith.subi %div3A, %sub3A : i32
      %select_n3A = arith.select %and3A, %sub3A_54, %div3A : i32
      %mul3A_55 = arith.constant 8 : i32
      %mul3A_56 = arith.muli %select_n3A, %mul3A_55 : i32
      %add3A_57 = arith.addi %mul3A_2, %mul3A_56 : i32
      %jit3A_58 = arith.constant 8 : i32
      %eq3A = arith.constant 0 : i32
      %eq3A_59 = arith.cmpi eq, %jit3A_58, %eq3A : i32
      %jit3A_60 = arith.constant 1 : i32
      %select_n3A_61 = arith.select %eq3A_59, %jit3A_60, %jit3A_58 : i32
      %rem3A_62 = arith.remsi %add3A_38, %select_n3A_61 : i32
      %ne3A_63 = arith.constant 0 : i32
      %ne3A_64 = arith.cmpi ne, %rem3A_62, %ne3A_63 : i32
      %lt3A = arith.constant 0 : i32
      %lt3A_65 = arith.cmpi slt, %rem3A_62, %lt3A : i32
      %lt3A_66 = arith.constant 0 : i32
      %lt3A_67 = arith.cmpi slt, %select_n3A_61, %lt3A_66 : i32
      %ne3A_68 = arith.xori %lt3A_65, %lt3A_67 : i1
      %and3A_69 = arith.andi %ne3A_68, %ne3A_64 : i1
      %add3A_70 = arith.addi %rem3A_62, %select_n3A_61 : i32
      %select_n3A_71 = arith.select %and3A_69, %add3A_70, %rem3A_62 : i32
      %mul3A_72 = arith.constant 256 : i32
      %mul3A_73 = arith.muli %select_n3A_71, %mul3A_72 : i32
      %dma_wait3A_74 = tpu.memref_slice %arg2[%add3A_57, %mul3A_73] : memref<2048x2048xi32, #tpu.memory_space<hbm>> -> memref<8x256xi32, #tpu.memory_space<hbm>>
      %dma_wait3A_75 = tpu.memref_slice %arg2[%add3A_57, %mul3A_73] : memref<2048x2048xi32, #tpu.memory_space<hbm>> -> memref<8x256xi32, #tpu.memory_space<hbm>>
      tpu.wait_dma2 semaphore(%arg10 : memref<!tpu.dma_semaphore, #tpu.memory_space<semaphore_mem>>) src(%dma_wait3A_75 : memref<8x256xi32, #tpu.memory_space<hbm>>) dst(%arg6 : memref<8x256xi32, #tpu.memory_space<vmem>>)
      %ge3A = arith.constant 2 : i32
      %ge3A_76 = arith.cmpi sge, %add3A_38, %ge3A : i32
      %convert_element_type3A = arith.extui %ge3A_76 : i1 to i32
      %cond3A = arith.constant 0 : i32
      %cond3A_77 = arith.cmpi ne, %convert_element_type3A, %cond3A : i32
      scf.if %cond3A_77 {
        %sub3A_251 = arith.constant 2 : i32
        %sub3A_252 = arith.subi %add3A_38, %sub3A_251 : i32
        %jit3A_253 = arith.constant 8 : i32
        %div3A_254 = arith.divsi %sub3A_252, %jit3A_253 : i32
        %sign3A_255 = arith.constant 0 : i32
        %sign3A_256 = arith.cmpi sgt, %sub3A_252, %sign3A_255 : i32
        %sign3A_257 = arith.extui %sign3A_256 : i1 to i32
        %sign3A_258 = arith.constant 0 : i32
        %sign3A_259 = arith.cmpi slt, %sub3A_252, %sign3A_258 : i32
        %sign3A_260 = arith.extui %sign3A_259 : i1 to i32
        %sign3A_261 = arith.subi %sign3A_257, %sign3A_260 : i32
        %sign3A_262 = arith.constant 0 : i32
        %sign3A_263 = arith.cmpi sgt, %jit3A_253, %sign3A_262 : i32
        %sign3A_264 = arith.extui %sign3A_263 : i1 to i32
        %sign3A_265 = arith.constant 0 : i32
        %sign3A_266 = arith.cmpi slt, %jit3A_253, %sign3A_265 : i32
        %sign3A_267 = arith.extui %sign3A_266 : i1 to i32
        %sign3A_268 = arith.subi %sign3A_264, %sign3A_267 : i32
        %ne3A_269 = arith.cmpi ne, %sign3A_261, %sign3A_268 : i32
        %rem3A_270 = arith.remsi %sub3A_252, %jit3A_253 : i32
        %ne3A_271 = arith.constant 0 : i32
        %ne3A_272 = arith.cmpi ne, %rem3A_270, %ne3A_271 : i32
        %and3A_273 = arith.andi %ne3A_269, %ne3A_272 : i1
        %sub3A_274 = arith.constant 1 : i32
        %sub3A_275 = arith.subi %div3A_254, %sub3A_274 : i32
        %select_n3A_276 = arith.select %and3A_273, %sub3A_275, %div3A_254 : i32
        %mul3A_277 = arith.constant 8 : i32
        %mul3A_278 = arith.muli %select_n3A_276, %mul3A_277 : i32
        %add3A_279 = arith.addi %mul3A_2, %mul3A_278 : i32
        %jit3A_280 = arith.constant 8 : i32
        %eq3A_281 = arith.constant 0 : i32
        %eq3A_282 = arith.cmpi eq, %jit3A_280, %eq3A_281 : i32
        %jit3A_283 = arith.constant 1 : i32
        %select_n3A_284 = arith.select %eq3A_282, %jit3A_283, %jit3A_280 : i32
        %rem3A_285 = arith.remsi %sub3A_252, %select_n3A_284 : i32
        %ne3A_286 = arith.constant 0 : i32
        %ne3A_287 = arith.cmpi ne, %rem3A_285, %ne3A_286 : i32
        %lt3A_288 = arith.constant 0 : i32
        %lt3A_289 = arith.cmpi slt, %rem3A_285, %lt3A_288 : i32
        %lt3A_290 = arith.constant 0 : i32
        %lt3A_291 = arith.cmpi slt, %select_n3A_284, %lt3A_290 : i32
        %ne3A_292 = arith.xori %lt3A_289, %lt3A_291 : i1
        %and3A_293 = arith.andi %ne3A_292, %ne3A_287 : i1
        %add3A_294 = arith.addi %rem3A_285, %select_n3A_284 : i32
        %select_n3A_295 = arith.select %and3A_293, %add3A_294, %rem3A_285 : i32
        %mul3A_296 = arith.constant 256 : i32
        %mul3A_297 = arith.muli %select_n3A_295, %mul3A_296 : i32
        %dma_wait3A_298 = arith.constant 0 : i32
        %dma_wait3A_299 = tpu.memref_slice %arg4[%dma_wait3A_298, %add3A_279, %mul3A_297] : memref<16x2048x2048xf32, #tpu.memory_space<hbm>> -> memref<16x8x256xf32, #tpu.memory_space<hbm>>
        %dma_wait3A_300 = arith.constant 0 : i32
        %dma_wait3A_301 = tpu.memref_slice %arg4[%dma_wait3A_300, %add3A_279, %mul3A_297] : memref<16x2048x2048xf32, #tpu.memory_space<hbm>> -> memref<16x8x256xf32, #tpu.memory_space<hbm>>
        tpu.wait_dma2 semaphore(%arg12 : memref<!tpu.dma_semaphore, #tpu.memory_space<semaphore_mem>>) src(%arg8 : memref<16x8x256xf32, #tpu.memory_space<vmem>>) dst(%dma_wait3A_301 : memref<16x8x256xf32, #tpu.memory_space<hbm>>)
      } else {
      }
      %parallel_loop3A = arith.constant 0 : i32
      %parallel_loop3A_78 = arith.constant 128 : i32
      %parallel_loop3A_79 = arith.constant 1 : i32
      scf.for %parallel_loop3A_251 = %parallel_loop3A to %parallel_loop3A_78 step %parallel_loop3A_79  : i32 {
        %parallel_loop3A_252 = arith.constant 4 : i32
        %parallel_loop3A_253 = arith.shrsi %parallel_loop3A_251, %parallel_loop3A_252 : i32
        %parallel_loop3A_254 = arith.constant 15 : i32
        %parallel_loop3A_255 = arith.andi %parallel_loop3A_251, %parallel_loop3A_254 : i32
        %parallel_loop3A_256 = arith.constant 16 : i32
        %parallel_loop3A_257 = arith.muli %parallel_loop3A_255, %parallel_loop3A_256 : i32
        %parallel_loop3A_258 = arith.index_cast %parallel_loop3A_253 : i32 to index
        %parallel_loop3A_259 = arith.index_cast %parallel_loop3A_257 : i32 to index
        %parallel_loop3A_260 = tpu.vector_load %arg6[%parallel_loop3A_258, %parallel_loop3A_259] {strides = array<i32>} : memref<8x256xi32, #tpu.memory_space<vmem>>, vector<16xi32>,
        %parallel_loop3A_261 = arith.constant 0 : i32
        %parallel_loop3A_262 = vector.broadcast %parallel_loop3A_261 : i32 to vector<16xi32>
        %parallel_loop3A_263 = arith.addi %parallel_loop3A_260, %parallel_loop3A_262 : vector<16xi32>
        %parallel_loop3A_264 = tpu.vector_load_idx %arg5[%parallel_loop3A_263] : memref<128xf32, #tpu.memory_space<vmem>>[vector<16xi32>], vector<16xf32>,
        %parallel_loop3A_265 = arith.constant 0 : i32
        %parallel_loop3A_266 = arith.index_cast %parallel_loop3A_265 : i32 to index
        %parallel_loop3A_267 = arith.index_cast %parallel_loop3A_253 : i32 to index
        %parallel_loop3A_268 = arith.index_cast %parallel_loop3A_257 : i32 to index
        %parallel_loop3A_269 = tpu.vector_load %arg8[%parallel_loop3A_266, %parallel_loop3A_267, %parallel_loop3A_268] {strides = array<i32>} : memref<16x8x256xf32, #tpu.memory_space<vmem>>, vector<16xf32>,
        tpu.vector_store %arg8[%parallel_loop3A_266, %parallel_loop3A_267, %parallel_loop3A_268], %parallel_loop3A_264 {strides = array<i32>} : memref<16x8x256xf32, #tpu.memory_space<vmem>>, vector<16xf32>,
        %parallel_loop3A_270 = arith.constant 5 : i32
        %parallel_loop3A_271 = vector.broadcast %parallel_loop3A_270 : i32 to vector<16xi32>
        %parallel_loop3A_272 = arith.addi %parallel_loop3A_260, %parallel_loop3A_271 : vector<16xi32>
        %parallel_loop3A_273 = tpu.vector_load_idx %arg5[%parallel_loop3A_272] : memref<128xf32, #tpu.memory_space<vmem>>[vector<16xi32>], vector<16xf32>,
        %parallel_loop3A_274 = arith.constant 1 : i32
        %parallel_loop3A_275 = arith.index_cast %parallel_loop3A_274 : i32 to index
        %parallel_loop3A_276 = arith.index_cast %parallel_loop3A_253 : i32 to index
        %parallel_loop3A_277 = arith.index_cast %parallel_loop3A_257 : i32 to index
        %parallel_loop3A_278 = tpu.vector_load %arg8[%parallel_loop3A_275, %parallel_loop3A_276, %parallel_loop3A_277] {strides = array<i32>} : memref<16x8x256xf32, #tpu.memory_space<vmem>>, vector<16xf32>,
        tpu.vector_store %arg8[%parallel_loop3A_275, %parallel_loop3A_276, %parallel_loop3A_277], %parallel_loop3A_273 {strides = array<i32>} : memref<16x8x256xf32, #tpu.memory_space<vmem>>, vector<16xf32>,
        %parallel_loop3A_279 = arith.constant 10 : i32
        %parallel_loop3A_280 = vector.broadcast %parallel_loop3A_279 : i32 to vector<16xi32>
        %parallel_loop3A_281 = arith.addi %parallel_loop3A_260, %parallel_loop3A_280 : vector<16xi32>
        %parallel_loop3A_282 = tpu.vector_load_idx %arg5[%parallel_loop3A_281] : memref<128xf32, #tpu.memory_space<vmem>>[vector<16xi32>], vector<16xf32>,
        %parallel_loop3A_283 = arith.constant 2 : i32
        %parallel_loop3A_284 = arith.index_cast %parallel_loop3A_283 : i32 to index
        %parallel_loop3A_285 = arith.index_cast %parallel_loop3A_253 : i32 to index
        %parallel_loop3A_286 = arith.index_cast %parallel_loop3A_257 : i32 to index
        %parallel_loop3A_287 = tpu.vector_load %arg8[%parallel_loop3A_284, %parallel_loop3A_285, %parallel_loop3A_286] {strides = array<i32>} : memref<16x8x256xf32, #tpu.memory_space<vmem>>, vector<16xf32>,
        tpu.vector_store %arg8[%parallel_loop3A_284, %parallel_loop3A_285, %parallel_loop3A_286], %parallel_loop3A_282 {strides = array<i32>} : memref<16x8x256xf32, #tpu.memory_space<vmem>>, vector<16xf32>,
        %parallel_loop3A_288 = arith.constant 15 : i32
        %parallel_loop3A_289 = vector.broadcast %parallel_loop3A_288 : i32 to vector<16xi32>
        %parallel_loop3A_290 = arith.addi %parallel_loop3A_260, %parallel_loop3A_289 : vector<16xi32>
        %parallel_loop3A_291 = tpu.vector_load_idx %arg5[%parallel_loop3A_290] : memref<128xf32, #tpu.memory_space<vmem>>[vector<16xi32>], vector<16xf32>,
        %parallel_loop3A_292 = arith.constant 3 : i32
        %parallel_loop3A_293 = arith.index_cast %parallel_loop3A_292 : i32 to index
        %parallel_loop3A_294 = arith.index_cast %parallel_loop3A_253 : i32 to index
        %parallel_loop3A_295 = arith.index_cast %parallel_loop3A_257 : i32 to index
        %parallel_loop3A_296 = tpu.vector_load %arg8[%parallel_loop3A_293, %parallel_loop3A_294, %parallel_loop3A_295] {strides = array<i32>} : memref<16x8x256xf32, #tpu.memory_space<vmem>>, vector<16xf32>,
        tpu.vector_store %arg8[%parallel_loop3A_293, %parallel_loop3A_294, %parallel_loop3A_295], %parallel_loop3A_291 {strides = array<i32>} : memref<16x8x256xf32, #tpu.memory_space<vmem>>, vector<16xf32>,
        %parallel_loop3A_297 = arith.constant 20 : i32
        %parallel_loop3A_298 = vector.broadcast %parallel_loop3A_297 : i32 to vector<16xi32>
        %parallel_loop3A_299 = arith.addi %parallel_loop3A_260, %parallel_loop3A_298 : vector<16xi32>
        %parallel_loop3A_300 = tpu.vector_load_idx %arg5[%parallel_loop3A_299] : memref<128xf32, #tpu.memory_space<vmem>>[vector<16xi32>], vector<16xf32>,
        %parallel_loop3A_301 = arith.constant 4 : i32
        %parallel_loop3A_302 = arith.index_cast %parallel_loop3A_301 : i32 to index
        %parallel_loop3A_303 = arith.index_cast %parallel_loop3A_253 : i32 to index
        %parallel_loop3A_304 = arith.index_cast %parallel_loop3A_257 : i32 to index
        %parallel_loop3A_305 = tpu.vector_load %arg8[%parallel_loop3A_302, %parallel_loop3A_303, %parallel_loop3A_304] {strides = array<i32>} : memref<16x8x256xf32, #tpu.memory_space<vmem>>, vector<16xf32>,
        tpu.vector_store %arg8[%parallel_loop3A_302, %parallel_loop3A_303, %parallel_loop3A_304], %parallel_loop3A_300 {strides = array<i32>} : memref<16x8x256xf32, #tpu.memory_space<vmem>>, vector<16xf32>,
        %parallel_loop3A_306 = arith.constant 25 : i32
        %parallel_loop3A_307 = vector.broadcast %parallel_loop3A_306 : i32 to vector<16xi32>
        %parallel_loop3A_308 = arith.addi %parallel_loop3A_260, %parallel_loop3A_307 : vector<16xi32>
        %parallel_loop3A_309 = tpu.vector_load_idx %arg5[%parallel_loop3A_308] : memref<128xf32, #tpu.memory_space<vmem>>[vector<16xi32>], vector<16xf32>,
        %parallel_loop3A_310 = arith.constant 5 : i32
        %parallel_loop3A_311 = arith.index_cast %parallel_loop3A_310 : i32 to index
        %parallel_loop3A_312 = arith.index_cast %parallel_loop3A_253 : i32 to index
        %parallel_loop3A_313 = arith.index_cast %parallel_loop3A_257 : i32 to index
        %parallel_loop3A_314 = tpu.vector_load %arg8[%parallel_loop3A_311, %parallel_loop3A_312, %parallel_loop3A_313] {strides = array<i32>} : memref<16x8x256xf32, #tpu.memory_space<vmem>>, vector<16xf32>,
        tpu.vector_store %arg8[%parallel_loop3A_311, %parallel_loop3A_312, %parallel_loop3A_313], %parallel_loop3A_309 {strides = array<i32>} : memref<16x8x256xf32, #tpu.memory_space<vmem>>, vector<16xf32>,
        %parallel_loop3A_315 = arith.constant 30 : i32
        %parallel_loop3A_316 = vector.broadcast %parallel_loop3A_315 : i32 to vector<16xi32>
        %parallel_loop3A_317 = arith.addi %parallel_loop3A_260, %parallel_loop3A_316 : vector<16xi32>
        %parallel_loop3A_318 = tpu.vector_load_idx %arg5[%parallel_loop3A_317] : memref<128xf32, #tpu.memory_space<vmem>>[vector<16xi32>], vector<16xf32>,
        %parallel_loop3A_319 = arith.constant 6 : i32
        %parallel_loop3A_320 = arith.index_cast %parallel_loop3A_319 : i32 to index
        %parallel_loop3A_321 = arith.index_cast %parallel_loop3A_253 : i32 to index
        %parallel_loop3A_322 = arith.index_cast %parallel_loop3A_257 : i32 to index
        %parallel_loop3A_323 = tpu.vector_load %arg8[%parallel_loop3A_320, %parallel_loop3A_321, %parallel_loop3A_322] {strides = array<i32>} : memref<16x8x256xf32, #tpu.memory_space<vmem>>, vector<16xf32>,
        tpu.vector_store %arg8[%parallel_loop3A_320, %parallel_loop3A_321, %parallel_loop3A_322], %parallel_loop3A_318 {strides = array<i32>} : memref<16x8x256xf32, #tpu.memory_space<vmem>>, vector<16xf32>,
        %parallel_loop3A_324 = arith.constant 35 : i32
        %parallel_loop3A_325 = vector.broadcast %parallel_loop3A_324 : i32 to vector<16xi32>
        %parallel_loop3A_326 = arith.addi %parallel_loop3A_260, %parallel_loop3A_325 : vector<16xi32>
        %parallel_loop3A_327 = tpu.vector_load_idx %arg5[%parallel_loop3A_326] : memref<128xf32, #tpu.memory_space<vmem>>[vector<16xi32>], vector<16xf32>,
        %parallel_loop3A_328 = arith.constant 7 : i32
        %parallel_loop3A_329 = arith.index_cast %parallel_loop3A_328 : i32 to index
        %parallel_loop3A_330 = arith.index_cast %parallel_loop3A_253 : i32 to index
        %parallel_loop3A_331 = arith.index_cast %parallel_loop3A_257 : i32 to index
        %parallel_loop3A_332 = tpu.vector_load %arg8[%parallel_loop3A_329, %parallel_loop3A_330, %parallel_loop3A_331] {strides = array<i32>} : memref<16x8x256xf32, #tpu.memory_space<vmem>>, vector<16xf32>,
        tpu.vector_store %arg8[%parallel_loop3A_329, %parallel_loop3A_330, %parallel_loop3A_331], %parallel_loop3A_327 {strides = array<i32>} : memref<16x8x256xf32, #tpu.memory_space<vmem>>, vector<16xf32>,
        %parallel_loop3A_333 = arith.constant 40 : i32
        %parallel_loop3A_334 = vector.broadcast %parallel_loop3A_333 : i32 to vector<16xi32>
        %parallel_loop3A_335 = arith.addi %parallel_loop3A_260, %parallel_loop3A_334 : vector<16xi32>
        %parallel_loop3A_336 = tpu.vector_load_idx %arg5[%parallel_loop3A_335] : memref<128xf32, #tpu.memory_space<vmem>>[vector<16xi32>], vector<16xf32>,
        %parallel_loop3A_337 = arith.constant 8 : i32
        %parallel_loop3A_338 = arith.index_cast %parallel_loop3A_337 : i32 to index
        %parallel_loop3A_339 = arith.index_cast %parallel_loop3A_253 : i32 to index
        %parallel_loop3A_340 = arith.index_cast %parallel_loop3A_257 : i32 to index
        %parallel_loop3A_341 = tpu.vector_load %arg8[%parallel_loop3A_338, %parallel_loop3A_339, %parallel_loop3A_340] {strides = array<i32>} : memref<16x8x256xf32, #tpu.memory_space<vmem>>, vector<16xf32>,
        tpu.vector_store %arg8[%parallel_loop3A_338, %parallel_loop3A_339, %parallel_loop3A_340], %parallel_loop3A_336 {strides = array<i32>} : memref<16x8x256xf32, #tpu.memory_space<vmem>>, vector<16xf32>,
        %parallel_loop3A_342 = arith.constant 45 : i32
        %parallel_loop3A_343 = vector.broadcast %parallel_loop3A_342 : i32 to vector<16xi32>
        %parallel_loop3A_344 = arith.addi %parallel_loop3A_260, %parallel_loop3A_343 : vector<16xi32>
        %parallel_loop3A_345 = tpu.vector_load_idx %arg5[%parallel_loop3A_344] : memref<128xf32, #tpu.memory_space<vmem>>[vector<16xi32>], vector<16xf32>,
        %parallel_loop3A_346 = arith.constant 9 : i32
        %parallel_loop3A_347 = arith.index_cast %parallel_loop3A_346 : i32 to index
        %parallel_loop3A_348 = arith.index_cast %parallel_loop3A_253 : i32 to index
        %parallel_loop3A_349 = arith.index_cast %parallel_loop3A_257 : i32 to index
        %parallel_loop3A_350 = tpu.vector_load %arg8[%parallel_loop3A_347, %parallel_loop3A_348, %parallel_loop3A_349] {strides = array<i32>} : memref<16x8x256xf32, #tpu.memory_space<vmem>>, vector<16xf32>,
        tpu.vector_store %arg8[%parallel_loop3A_347, %parallel_loop3A_348, %parallel_loop3A_349], %parallel_loop3A_345 {strides = array<i32>} : memref<16x8x256xf32, #tpu.memory_space<vmem>>, vector<16xf32>,
        %parallel_loop3A_351 = arith.constant 50 : i32
        %parallel_loop3A_352 = vector.broadcast %parallel_loop3A_351 : i32 to vector<16xi32>
        %parallel_loop3A_353 = arith.addi %parallel_loop3A_260, %parallel_loop3A_352 : vector<16xi32>
        %parallel_loop3A_354 = tpu.vector_load_idx %arg5[%parallel_loop3A_353] : memref<128xf32, #tpu.memory_space<vmem>>[vector<16xi32>], vector<16xf32>,
        %parallel_loop3A_355 = arith.constant 10 : i32
        %parallel_loop3A_356 = arith.index_cast %parallel_loop3A_355 : i32 to index
        %parallel_loop3A_357 = arith.index_cast %parallel_loop3A_253 : i32 to index
        %parallel_loop3A_358 = arith.index_cast %parallel_loop3A_257 : i32 to index
        %parallel_loop3A_359 = tpu.vector_load %arg8[%parallel_loop3A_356, %parallel_loop3A_357, %parallel_loop3A_358] {strides = array<i32>} : memref<16x8x256xf32, #tpu.memory_space<vmem>>, vector<16xf32>,
        tpu.vector_store %arg8[%parallel_loop3A_356, %parallel_loop3A_357, %parallel_loop3A_358], %parallel_loop3A_354 {strides = array<i32>} : memref<16x8x256xf32, #tpu.memory_space<vmem>>, vector<16xf32>,
        %parallel_loop3A_360 = arith.constant 55 : i32
        %parallel_loop3A_361 = vector.broadcast %parallel_loop3A_360 : i32 to vector<16xi32>
        %parallel_loop3A_362 = arith.addi %parallel_loop3A_260, %parallel_loop3A_361 : vector<16xi32>
        %parallel_loop3A_363 = tpu.vector_load_idx %arg5[%parallel_loop3A_362] : memref<128xf32, #tpu.memory_space<vmem>>[vector<16xi32>], vector<16xf32>,
        %parallel_loop3A_364 = arith.constant 11 : i32
        %parallel_loop3A_365 = arith.index_cast %parallel_loop3A_364 : i32 to index
        %parallel_loop3A_366 = arith.index_cast %parallel_loop3A_253 : i32 to index
        %parallel_loop3A_367 = arith.index_cast %parallel_loop3A_257 : i32 to index
        %parallel_loop3A_368 = tpu.vector_load %arg8[%parallel_loop3A_365, %parallel_loop3A_366, %parallel_loop3A_367] {strides = array<i32>} : memref<16x8x256xf32, #tpu.memory_space<vmem>>, vector<16xf32>,
        tpu.vector_store %arg8[%parallel_loop3A_365, %parallel_loop3A_366, %parallel_loop3A_367], %parallel_loop3A_363 {strides = array<i32>} : memref<16x8x256xf32, #tpu.memory_space<vmem>>, vector<16xf32>,
        %parallel_loop3A_369 = arith.constant 60 : i32
        %parallel_loop3A_370 = vector.broadcast %parallel_loop3A_369 : i32 to vector<16xi32>
        %parallel_loop3A_371 = arith.addi %parallel_loop3A_260, %parallel_loop3A_370 : vector<16xi32>
        %parallel_loop3A_372 = tpu.vector_load_idx %arg5[%parallel_loop3A_371] : memref<128xf32, #tpu.memory_space<vmem>>[vector<16xi32>], vector<16xf32>,
        %parallel_loop3A_373 = arith.constant 12 : i32
        %parallel_loop3A_374 = arith.index_cast %parallel_loop3A_373 : i32 to index
        %parallel_loop3A_375 = arith.index_cast %parallel_loop3A_253 : i32 to index
        %parallel_loop3A_376 = arith.index_cast %parallel_loop3A_257 : i32 to index
        %parallel_loop3A_377 = tpu.vector_load %arg8[%parallel_loop3A_374, %parallel_loop3A_375, %parallel_loop3A_376] {strides = array<i32>} : memref<16x8x256xf32, #tpu.memory_space<vmem>>, vector<16xf32>,
        tpu.vector_store %arg8[%parallel_loop3A_374, %parallel_loop3A_375, %parallel_loop3A_376], %parallel_loop3A_372 {strides = array<i32>} : memref<16x8x256xf32, #tpu.memory_space<vmem>>, vector<16xf32>,
        %parallel_loop3A_378 = arith.constant 65 : i32
        %parallel_loop3A_379 = vector.broadcast %parallel_loop3A_378 : i32 to vector<16xi32>
        %parallel_loop3A_380 = arith.addi %parallel_loop3A_260, %parallel_loop3A_379 : vector<16xi32>
        %parallel_loop3A_381 = tpu.vector_load_idx %arg5[%parallel_loop3A_380] : memref<128xf32, #tpu.memory_space<vmem>>[vector<16xi32>], vector<16xf32>,
        %parallel_loop3A_382 = arith.constant 13 : i32
        %parallel_loop3A_383 = arith.index_cast %parallel_loop3A_382 : i32 to index
        %parallel_loop3A_384 = arith.index_cast %parallel_loop3A_253 : i32 to index
        %parallel_loop3A_385 = arith.index_cast %parallel_loop3A_257 : i32 to index
        %parallel_loop3A_386 = tpu.vector_load %arg8[%parallel_loop3A_383, %parallel_loop3A_384, %parallel_loop3A_385] {strides = array<i32>} : memref<16x8x256xf32, #tpu.memory_space<vmem>>, vector<16xf32>,
        tpu.vector_store %arg8[%parallel_loop3A_383, %parallel_loop3A_384, %parallel_loop3A_385], %parallel_loop3A_381 {strides = array<i32>} : memref<16x8x256xf32, #tpu.memory_space<vmem>>, vector<16xf32>,
        %parallel_loop3A_387 = arith.constant 70 : i32
        %parallel_loop3A_388 = vector.broadcast %parallel_loop3A_387 : i32 to vector<16xi32>
        %parallel_loop3A_389 = arith.addi %parallel_loop3A_260, %parallel_loop3A_388 : vector<16xi32>
        %parallel_loop3A_390 = tpu.vector_load_idx %arg5[%parallel_loop3A_389] : memref<128xf32, #tpu.memory_space<vmem>>[vector<16xi32>], vector<16xf32>,
        %parallel_loop3A_391 = arith.constant 14 : i32
        %parallel_loop3A_392 = arith.index_cast %parallel_loop3A_391 : i32 to index
        %parallel_loop3A_393 = arith.index_cast %parallel_loop3A_253 : i32 to index
        %parallel_loop3A_394 = arith.index_cast %parallel_loop3A_257 : i32 to index
        %parallel_loop3A_395 = tpu.vector_load %arg8[%parallel_loop3A_392, %parallel_loop3A_393, %parallel_loop3A_394] {strides = array<i32>} : memref<16x8x256xf32, #tpu.memory_space<vmem>>, vector<16xf32>,
        tpu.vector_store %arg8[%parallel_loop3A_392, %parallel_loop3A_393, %parallel_loop3A_394], %parallel_loop3A_390 {strides = array<i32>} : memref<16x8x256xf32, #tpu.memory_space<vmem>>, vector<16xf32>,
        %parallel_loop3A_396 = arith.constant 75 : i32
        %parallel_loop3A_397 = vector.broadcast %parallel_loop3A_396 : i32 to vector<16xi32>
        %parallel_loop3A_398 = arith.addi %parallel_loop3A_260, %parallel_loop3A_397 : vector<16xi32>
        %parallel_loop3A_399 = tpu.vector_load_idx %arg5[%parallel_loop3A_398] : memref<128xf32, #tpu.memory_space<vmem>>[vector<16xi32>], vector<16xf32>,
        %parallel_loop3A_400 = arith.constant 15 : i32
        %parallel_loop3A_401 = arith.index_cast %parallel_loop3A_400 : i32 to index
        %parallel_loop3A_402 = arith.index_cast %parallel_loop3A_253 : i32 to index
        %parallel_loop3A_403 = arith.index_cast %parallel_loop3A_257 : i32 to index
        %parallel_loop3A_404 = tpu.vector_load %arg8[%parallel_loop3A_401, %parallel_loop3A_402, %parallel_loop3A_403] {strides = array<i32>} : memref<16x8x256xf32, #tpu.memory_space<vmem>>, vector<16xf32>,
        tpu.vector_store %arg8[%parallel_loop3A_401, %parallel_loop3A_402, %parallel_loop3A_403], %parallel_loop3A_399 {strides = array<i32>} : memref<16x8x256xf32, #tpu.memory_space<vmem>>, vector<16xf32>,
      } {sc.loop_unroll_factor = 1 : i64, sc.parallel_access}
      %add3A_80 = arith.constant 2 : i32
      %add3A_81 = arith.addi %add3A_38, %add3A_80 : i32
      %lt3A_82 = arith.constant 64 : i32
      %lt3A_83 = arith.cmpi slt, %add3A_81, %lt3A_82 : i32
      %convert_element_type3A_84 = arith.extui %lt3A_83 : i1 to i32
      %cond3A_85 = arith.constant 0 : i32
      %cond3A_86 = arith.cmpi ne, %convert_element_type3A_84, %cond3A_85 : i32
      scf.if %cond3A_86 {
        %add3A_251 = arith.constant 2 : i32
        %add3A_252 = arith.addi %add3A_38, %add3A_251 : i32
        %jit3A_253 = arith.constant 8 : i32
        %div3A_254 = arith.divsi %add3A_252, %jit3A_253 : i32
        %sign3A_255 = arith.constant 0 : i32
        %sign3A_256 = arith.cmpi sgt, %add3A_252, %sign3A_255 : i32
        %sign3A_257 = arith.extui %sign3A_256 : i1 to i32
        %sign3A_258 = arith.constant 0 : i32
        %sign3A_259 = arith.cmpi slt, %add3A_252, %sign3A_258 : i32
        %sign3A_260 = arith.extui %sign3A_259 : i1 to i32
        %sign3A_261 = arith.subi %sign3A_257, %sign3A_260 : i32
        %sign3A_262 = arith.constant 0 : i32
        %sign3A_263 = arith.cmpi sgt, %jit3A_253, %sign3A_262 : i32
        %sign3A_264 = arith.extui %sign3A_263 : i1 to i32
        %sign3A_265 = arith.constant 0 : i32
        %sign3A_266 = arith.cmpi slt, %jit3A_253, %sign3A_265 : i32
        %sign3A_267 = arith.extui %sign3A_266 : i1 to i32
        %sign3A_268 = arith.subi %sign3A_264, %sign3A_267 : i32
        %ne3A_269 = arith.cmpi ne, %sign3A_261, %sign3A_268 : i32
        %rem3A_270 = arith.remsi %add3A_252, %jit3A_253 : i32
        %ne3A_271 = arith.constant 0 : i32
        %ne3A_272 = arith.cmpi ne, %rem3A_270, %ne3A_271 : i32
        %and3A_273 = arith.andi %ne3A_269, %ne3A_272 : i1
        %sub3A_274 = arith.constant 1 : i32
        %sub3A_275 = arith.subi %div3A_254, %sub3A_274 : i32
        %select_n3A_276 = arith.select %and3A_273, %sub3A_275, %div3A_254 : i32
        %mul3A_277 = arith.constant 8 : i32
        %mul3A_278 = arith.muli %select_n3A_276, %mul3A_277 : i32
        %add3A_279 = arith.addi %mul3A_2, %mul3A_278 : i32
        %jit3A_280 = arith.constant 8 : i32
        %eq3A_281 = arith.constant 0 : i32
        %eq3A_282 = arith.cmpi eq, %jit3A_280, %eq3A_281 : i32
        %jit3A_283 = arith.constant 1 : i32
        %select_n3A_284 = arith.select %eq3A_282, %jit3A_283, %jit3A_280 : i32
        %rem3A_285 = arith.remsi %add3A_252, %select_n3A_284 : i32
        %ne3A_286 = arith.constant 0 : i32
        %ne3A_287 = arith.cmpi ne, %rem3A_285, %ne3A_286 : i32
        %lt3A_288 = arith.constant 0 : i32
        %lt3A_289 = arith.cmpi slt, %rem3A_285, %lt3A_288 : i32
        %lt3A_290 = arith.constant 0 : i32
        %lt3A_291 = arith.cmpi slt, %select_n3A_284, %lt3A_290 : i32
        %ne3A_292 = arith.xori %lt3A_289, %lt3A_291 : i1
        %and3A_293 = arith.andi %ne3A_292, %ne3A_287 : i1
        %add3A_294 = arith.addi %rem3A_285, %select_n3A_284 : i32
        %select_n3A_295 = arith.select %and3A_293, %add3A_294, %rem3A_285 : i32
        %mul3A_296 = arith.constant 256 : i32
        %mul3A_297 = arith.muli %select_n3A_295, %mul3A_296 : i32
        %dma_start3A_298 = tpu.memref_slice %arg2[%add3A_279, %mul3A_297] : memref<2048x2048xi32, #tpu.memory_space<hbm>> -> memref<8x256xi32, #tpu.memory_space<hbm>>
        %dma_start3A_299 = tpu.memref_slice %arg2[%add3A_279, %mul3A_297] : memref<2048x2048xi32, #tpu.memory_space<hbm>> -> memref<8x256xi32, #tpu.memory_space<hbm>>
        tpu.enqueue_dma source(%dma_start3A_299 : memref<8x256xi32, #tpu.memory_space<hbm>>) target(%arg6 : memref<8x256xi32, #tpu.memory_space<vmem>>) target_semaphore(%arg10 : memref<!tpu.dma_semaphore, #tpu.memory_space<semaphore_mem>>)
      } else {
      }
      %jit3A_87 = arith.constant 8 : i32
      %div3A_88 = arith.divsi %add3A_38, %jit3A_87 : i32
      %sign3A_89 = arith.constant 0 : i32
      %sign3A_90 = arith.cmpi sgt, %add3A_38, %sign3A_89 : i32
      %sign3A_91 = arith.extui %sign3A_90 : i1 to i32
      %sign3A_92 = arith.constant 0 : i32
      %sign3A_93 = arith.cmpi slt, %add3A_38, %sign3A_92 : i32
      %sign3A_94 = arith.extui %sign3A_93 : i1 to i32
      %sign3A_95 = arith.subi %sign3A_91, %sign3A_94 : i32
      %sign3A_96 = arith.constant 0 : i32
      %sign3A_97 = arith.cmpi sgt, %jit3A_87, %sign3A_96 : i32
      %sign3A_98 = arith.extui %sign3A_97 : i1 to i32
      %sign3A_99 = arith.constant 0 : i32
      %sign3A_100 = arith.cmpi slt, %jit3A_87, %sign3A_99 : i32
      %sign3A_101 = arith.extui %sign3A_100 : i1 to i32
      %sign3A_102 = arith.subi %sign3A_98, %sign3A_101 : i32
      %ne3A_103 = arith.cmpi ne, %sign3A_95, %sign3A_102 : i32
      %rem3A_104 = arith.remsi %add3A_38, %jit3A_87 : i32
      %ne3A_105 = arith.constant 0 : i32
      %ne3A_106 = arith.cmpi ne, %rem3A_104, %ne3A_105 : i32
      %and3A_107 = arith.andi %ne3A_103, %ne3A_106 : i1
      %sub3A_108 = arith.constant 1 : i32
      %sub3A_109 = arith.subi %div3A_88, %sub3A_108 : i32
      %select_n3A_110 = arith.select %and3A_107, %sub3A_109, %div3A_88 : i32
      %mul3A_111 = arith.constant 8 : i32
      %mul3A_112 = arith.muli %select_n3A_110, %mul3A_111 : i32
      %add3A_113 = arith.addi %mul3A_2, %mul3A_112 : i32
      %jit3A_114 = arith.constant 8 : i32
      %eq3A_115 = arith.constant 0 : i32
      %eq3A_116 = arith.cmpi eq, %jit3A_114, %eq3A_115 : i32
      %jit3A_117 = arith.constant 1 : i32
      %select_n3A_118 = arith.select %eq3A_116, %jit3A_117, %jit3A_114 : i32
      %rem3A_119 = arith.remsi %add3A_38, %select_n3A_118 : i32
      %ne3A_120 = arith.constant 0 : i32
      %ne3A_121 = arith.cmpi ne, %rem3A_119, %ne3A_120 : i32
      %lt3A_122 = arith.constant 0 : i32
      %lt3A_123 = arith.cmpi slt, %rem3A_119, %lt3A_122 : i32
      %lt3A_124 = arith.constant 0 : i32
      %lt3A_125 = arith.cmpi slt, %select_n3A_118, %lt3A_124 : i32
      %ne3A_126 = arith.xori %lt3A_123, %lt3A_125 : i1
      %and3A_127 = arith.andi %ne3A_126, %ne3A_121 : i1
      %add3A_128 = arith.addi %rem3A_119, %select_n3A_118 : i32
      %select_n3A_129 = arith.select %and3A_127, %add3A_128, %rem3A_119 : i32
      %mul3A_130 = arith.constant 256 : i32
      %mul3A_131 = arith.muli %select_n3A_129, %mul3A_130 : i32
      %dma_start3A_132 = arith.constant 0 : i32
      %dma_start3A_133 = tpu.memref_slice %arg4[%dma_start3A_132, %add3A_113, %mul3A_131] : memref<16x2048x2048xf32, #tpu.memory_space<hbm>> -> memref<16x8x256xf32, #tpu.memory_space<hbm>>
      %dma_start3A_134 = arith.constant 0 : i32
      %dma_start3A_135 = tpu.memref_slice %arg4[%dma_start3A_134, %add3A_113, %mul3A_131] : memref<16x2048x2048xf32, #tpu.memory_space<hbm>> -> memref<16x8x256xf32, #tpu.memory_space<hbm>>
      tpu.enqueue_dma source(%arg8 : memref<16x8x256xf32, #tpu.memory_space<vmem>>) target(%dma_start3A_135 : memref<16x8x256xf32, #tpu.memory_space<hbm>>) target_semaphore(%arg12 : memref<!tpu.dma_semaphore, #tpu.memory_space<semaphore_mem>>)
      %mul3A_136 = arith.constant 2 : i32
      %mul3A_137 = arith.muli %scan3A_34, %mul3A_136 : i32
      %add3A_138 = arith.constant 1 : i32
      %add3A_139 = arith.addi %mul3A_137, %add3A_138 : i32
      %jit3A_140 = arith.constant 8 : i32
      %div3A_141 = arith.divsi %add3A_139, %jit3A_140 : i32
      %sign3A_142 = arith.constant 0 : i32
      %sign3A_143 = arith.cmpi sgt, %add3A_139, %sign3A_142 : i32
      %sign3A_144 = arith.extui %sign3A_143 : i1 to i32
      %sign3A_145 = arith.constant 0 : i32
      %sign3A_146 = arith.cmpi slt, %add3A_139, %sign3A_145 : i32
      %sign3A_147 = arith.extui %sign3A_146 : i1 to i32
      %sign3A_148 = arith.subi %sign3A_144, %sign3A_147 : i32
      %sign3A_149 = arith.constant 0 : i32
      %sign3A_150 = arith.cmpi sgt, %jit3A_140, %sign3A_149 : i32
      %sign3A_151 = arith.extui %sign3A_150 : i1 to i32
      %sign3A_152 = arith.constant 0 : i32
      %sign3A_153 = arith.cmpi slt, %jit3A_140, %sign3A_152 : i32
      %sign3A_154 = arith.extui %sign3A_153 : i1 to i32
      %sign3A_155 = arith.subi %sign3A_151, %sign3A_154 : i32
      %ne3A_156 = arith.cmpi ne, %sign3A_148, %sign3A_155 : i32
      %rem3A_157 = arith.remsi %add3A_139, %jit3A_140 : i32
      %ne3A_158 = arith.constant 0 : i32
      %ne3A_159 = arith.cmpi ne, %rem3A_157, %ne3A_158 : i32
      %and3A_160 = arith.andi %ne3A_156, %ne3A_159 : i1
      %sub3A_161 = arith.constant 1 : i32
      %sub3A_162 = arith.subi %div3A_141, %sub3A_161 : i32
      %select_n3A_163 = arith.select %and3A_160, %sub3A_162, %div3A_141 : i32
      %mul3A_164 = arith.constant 8 : i32
      %mul3A_165 = arith.muli %select_n3A_163, %mul3A_164 : i32
      %add3A_166 = arith.addi %mul3A_2, %mul3A_165 : i32
      %jit3A_167 = arith.constant 8 : i32
      %eq3A_168 = arith.constant 0 : i32
      %eq3A_169 = arith.cmpi eq, %jit3A_167, %eq3A_168 : i32
      %jit3A_170 = arith.constant 1 : i32
      %select_n3A_171 = arith.select %eq3A_169, %jit3A_170, %jit3A_167 : i32
      %rem3A_172 = arith.remsi %add3A_139, %select_n3A_171 : i32
      %ne3A_173 = arith.constant 0 : i32
      %ne3A_174 = arith.cmpi ne, %rem3A_172, %ne3A_173 : i32
      %lt3A_175 = arith.constant 0 : i32
      %lt3A_176 = arith.cmpi slt, %rem3A_172, %lt3A_175 : i32
      %lt3A_177 = arith.constant 0 : i32
      %lt3A_178 = arith.cmpi slt, %select_n3A_171, %lt3A_177 : i32
      %ne3A_179 = arith.xori %lt3A_176, %lt3A_178 : i1
      %and3A_180 = arith.andi %ne3A_179, %ne3A_174 : i1
      %add3A_181 = arith.addi %rem3A_172, %select_n3A_171 : i32
      %select_n3A_182 = arith.select %and3A_180, %add3A_181, %rem3A_172 : i32
      %mul3A_183 = arith.constant 256 : i32
      %mul3A_184 = arith.muli %select_n3A_182, %mul3A_183 : i32
      %dma_wait3A_185 = tpu.memref_slice %arg2[%add3A_166, %mul3A_184] : memref<2048x2048xi32, #tpu.memory_space<hbm>> -> memref<8x256xi32, #tpu.memory_space<hbm>>
      %dma_wait3A_186 = tpu.memref_slice %arg2[%add3A_166, %mul3A_184] : memref<2048x2048xi32, #tpu.memory_space<hbm>> -> memref<8x256xi32, #tpu.memory_space<hbm>>
      tpu.wait_dma2 semaphore(%arg11 : memref<!tpu.dma_semaphore, #tpu.memory_space<semaphore_mem>>) src(%dma_wait3A_186 : memref<8x256xi32, #tpu.memory_space<hbm>>) dst(%arg7 : memref<8x256xi32, #tpu.memory_space<vmem>>)
      %ge3A_187 = arith.constant 2 : i32
      %ge3A_188 = arith.cmpi sge, %add3A_139, %ge3A_187 : i32
      %convert_element_type3A_189 = arith.extui %ge3A_188 : i1 to i32
      %cond3A_190 = arith.constant 0 : i32
      %cond3A_191 = arith.cmpi ne, %convert_element_type3A_189, %cond3A_190 : i32
      scf.if %cond3A_191 {
        %sub3A_251 = arith.constant 2 : i32
        %sub3A_252 = arith.subi %add3A_139, %sub3A_251 : i32
        %jit3A_253 = arith.constant 8 : i32
        %div3A_254 = arith.divsi %sub3A_252, %jit3A_253 : i32
        %sign3A_255 = arith.constant 0 : i32
        %sign3A_256 = arith.cmpi sgt, %sub3A_252, %sign3A_255 : i32
        %sign3A_257 = arith.extui %sign3A_256 : i1 to i32
        %sign3A_258 = arith.constant 0 : i32
        %sign3A_259 = arith.cmpi slt, %sub3A_252, %sign3A_258 : i32
        %sign3A_260 = arith.extui %sign3A_259 : i1 to i32
        %sign3A_261 = arith.subi %sign3A_257, %sign3A_260 : i32
        %sign3A_262 = arith.constant 0 : i32
        %sign3A_263 = arith.cmpi sgt, %jit3A_253, %sign3A_262 : i32
        %sign3A_264 = arith.extui %sign3A_263 : i1 to i32
        %sign3A_265 = arith.constant 0 : i32
        %sign3A_266 = arith.cmpi slt, %jit3A_253, %sign3A_265 : i32
        %sign3A_267 = arith.extui %sign3A_266 : i1 to i32
        %sign3A_268 = arith.subi %sign3A_264, %sign3A_267 : i32
        %ne3A_269 = arith.cmpi ne, %sign3A_261, %sign3A_268 : i32
        %rem3A_270 = arith.remsi %sub3A_252, %jit3A_253 : i32
        %ne3A_271 = arith.constant 0 : i32
        %ne3A_272 = arith.cmpi ne, %rem3A_270, %ne3A_271 : i32
        %and3A_273 = arith.andi %ne3A_269, %ne3A_272 : i1
        %sub3A_274 = arith.constant 1 : i32
        %sub3A_275 = arith.subi %div3A_254, %sub3A_274 : i32
        %select_n3A_276 = arith.select %and3A_273, %sub3A_275, %div3A_254 : i32
        %mul3A_277 = arith.constant 8 : i32
        %mul3A_278 = arith.muli %select_n3A_276, %mul3A_277 : i32
        %add3A_279 = arith.addi %mul3A_2, %mul3A_278 : i32
        %jit3A_280 = arith.constant 8 : i32
        %eq3A_281 = arith.constant 0 : i32
        %eq3A_282 = arith.cmpi eq, %jit3A_280, %eq3A_281 : i32
        %jit3A_283 = arith.constant 1 : i32
        %select_n3A_284 = arith.select %eq3A_282, %jit3A_283, %jit3A_280 : i32
        %rem3A_285 = arith.remsi %sub3A_252, %select_n3A_284 : i32
        %ne3A_286 = arith.constant 0 : i32
        %ne3A_287 = arith.cmpi ne, %rem3A_285, %ne3A_286 : i32
        %lt3A_288 = arith.constant 0 : i32
        %lt3A_289 = arith.cmpi slt, %rem3A_285, %lt3A_288 : i32
        %lt3A_290 = arith.constant 0 : i32
        %lt3A_291 = arith.cmpi slt, %select_n3A_284, %lt3A_290 : i32
        %ne3A_292 = arith.xori %lt3A_289, %lt3A_291 : i1
        %and3A_293 = arith.andi %ne3A_292, %ne3A_287 : i1
        %add3A_294 = arith.addi %rem3A_285, %select_n3A_284 : i32
        %select_n3A_295 = arith.select %and3A_293, %add3A_294, %rem3A_285 : i32
        %mul3A_296 = arith.constant 256 : i32
        %mul3A_297 = arith.muli %select_n3A_295, %mul3A_296 : i32
        %dma_wait3A_298 = arith.constant 0 : i32
        %dma_wait3A_299 = tpu.memref_slice %arg4[%dma_wait3A_298, %add3A_279, %mul3A_297] : memref<16x2048x2048xf32, #tpu.memory_space<hbm>> -> memref<16x8x256xf32, #tpu.memory_space<hbm>>
        %dma_wait3A_300 = arith.constant 0 : i32
        %dma_wait3A_301 = tpu.memref_slice %arg4[%dma_wait3A_300, %add3A_279, %mul3A_297] : memref<16x2048x2048xf32, #tpu.memory_space<hbm>> -> memref<16x8x256xf32, #tpu.memory_space<hbm>>
        tpu.wait_dma2 semaphore(%arg13 : memref<!tpu.dma_semaphore, #tpu.memory_space<semaphore_mem>>) src(%arg9 : memref<16x8x256xf32, #tpu.memory_space<vmem>>) dst(%dma_wait3A_301 : memref<16x8x256xf32, #tpu.memory_space<hbm>>)
      } else {
      }
      %parallel_loop3A_192 = arith.constant 0 : i32
      %parallel_loop3A_193 = arith.constant 128 : i32
      %parallel_loop3A_194 = arith.constant 1 : i32
      scf.for %parallel_loop3A_251 = %parallel_loop3A_192 to %parallel_loop3A_193 step %parallel_loop3A_194  : i32 {
        %parallel_loop3A_252 = arith.constant 4 : i32
        %parallel_loop3A_253 = arith.shrsi %parallel_loop3A_251, %parallel_loop3A_252 : i32
        %parallel_loop3A_254 = arith.constant 15 : i32
        %parallel_loop3A_255 = arith.andi %parallel_loop3A_251, %parallel_loop3A_254 : i32
        %parallel_loop3A_256 = arith.constant 16 : i32
        %parallel_loop3A_257 = arith.muli %parallel_loop3A_255, %parallel_loop3A_256 : i32
        %parallel_loop3A_258 = arith.index_cast %parallel_loop3A_253 : i32 to index
        %parallel_loop3A_259 = arith.index_cast %parallel_loop3A_257 : i32 to index
        %parallel_loop3A_260 = tpu.vector_load %arg7[%parallel_loop3A_258, %parallel_loop3A_259] {strides = array<i32>} : memref<8x256xi32, #tpu.memory_space<vmem>>, vector<16xi32>,
        %parallel_loop3A_261 = arith.constant 0 : i32
        %parallel_loop3A_262 = vector.broadcast %parallel_loop3A_261 : i32 to vector<16xi32>
        %parallel_loop3A_263 = arith.addi %parallel_loop3A_260, %parallel_loop3A_262 : vector<16xi32>
        %parallel_loop3A_264 = tpu.vector_load_idx %arg5[%parallel_loop3A_263] : memref<128xf32, #tpu.memory_space<vmem>>[vector<16xi32>], vector<16xf32>,
        %parallel_loop3A_265 = arith.constant 0 : i32
        %parallel_loop3A_266 = arith.index_cast %parallel_loop3A_265 : i32 to index
        %parallel_loop3A_267 = arith.index_cast %parallel_loop3A_253 : i32 to index
        %parallel_loop3A_268 = arith.index_cast %parallel_loop3A_257 : i32 to index
        %parallel_loop3A_269 = tpu.vector_load %arg9[%parallel_loop3A_266, %parallel_loop3A_267, %parallel_loop3A_268] {strides = array<i32>} : memref<16x8x256xf32, #tpu.memory_space<vmem>>, vector<16xf32>,
        tpu.vector_store %arg9[%parallel_loop3A_266, %parallel_loop3A_267, %parallel_loop3A_268], %parallel_loop3A_264 {strides = array<i32>} : memref<16x8x256xf32, #tpu.memory_space<vmem>>, vector<16xf32>,
        %parallel_loop3A_270 = arith.constant 5 : i32
        %parallel_loop3A_271 = vector.broadcast %parallel_loop3A_270 : i32 to vector<16xi32>
        %parallel_loop3A_272 = arith.addi %parallel_loop3A_260, %parallel_loop3A_271 : vector<16xi32>
        %parallel_loop3A_273 = tpu.vector_load_idx %arg5[%parallel_loop3A_272] : memref<128xf32, #tpu.memory_space<vmem>>[vector<16xi32>], vector<16xf32>,
        %parallel_loop3A_274 = arith.constant 1 : i32
        %parallel_loop3A_275 = arith.index_cast %parallel_loop3A_274 : i32 to index
        %parallel_loop3A_276 = arith.index_cast %parallel_loop3A_253 : i32 to index
        %parallel_loop3A_277 = arith.index_cast %parallel_loop3A_257 : i32 to index
        %parallel_loop3A_278 = tpu.vector_load %arg9[%parallel_loop3A_275, %parallel_loop3A_276, %parallel_loop3A_277] {strides = array<i32>} : memref<16x8x256xf32, #tpu.memory_space<vmem>>, vector<16xf32>,
        tpu.vector_store %arg9[%parallel_loop3A_275, %parallel_loop3A_276, %parallel_loop3A_277], %parallel_loop3A_273 {strides = array<i32>} : memref<16x8x256xf32, #tpu.memory_space<vmem>>, vector<16xf32>,
        %parallel_loop3A_279 = arith.constant 10 : i32
        %parallel_loop3A_280 = vector.broadcast %parallel_loop3A_279 : i32 to vector<16xi32>
        %parallel_loop3A_281 = arith.addi %parallel_loop3A_260, %parallel_loop3A_280 : vector<16xi32>
        %parallel_loop3A_282 = tpu.vector_load_idx %arg5[%parallel_loop3A_281] : memref<128xf32, #tpu.memory_space<vmem>>[vector<16xi32>], vector<16xf32>,
        %parallel_loop3A_283 = arith.constant 2 : i32
        %parallel_loop3A_284 = arith.index_cast %parallel_loop3A_283 : i32 to index
        %parallel_loop3A_285 = arith.index_cast %parallel_loop3A_253 : i32 to index
        %parallel_loop3A_286 = arith.index_cast %parallel_loop3A_257 : i32 to index
        %parallel_loop3A_287 = tpu.vector_load %arg9[%parallel_loop3A_284, %parallel_loop3A_285, %parallel_loop3A_286] {strides = array<i32>} : memref<16x8x256xf32, #tpu.memory_space<vmem>>, vector<16xf32>,
        tpu.vector_store %arg9[%parallel_loop3A_284, %parallel_loop3A_285, %parallel_loop3A_286], %parallel_loop3A_282 {strides = array<i32>} : memref<16x8x256xf32, #tpu.memory_space<vmem>>, vector<16xf32>,
        %parallel_loop3A_288 = arith.constant 15 : i32
        %parallel_loop3A_289 = vector.broadcast %parallel_loop3A_288 : i32 to vector<16xi32>
        %parallel_loop3A_290 = arith.addi %parallel_loop3A_260, %parallel_loop3A_289 : vector<16xi32>
        %parallel_loop3A_291 = tpu.vector_load_idx %arg5[%parallel_loop3A_290] : memref<128xf32, #tpu.memory_space<vmem>>[vector<16xi32>], vector<16xf32>,
        %parallel_loop3A_292 = arith.constant 3 : i32
        %parallel_loop3A_293 = arith.index_cast %parallel_loop3A_292 : i32 to index
        %parallel_loop3A_294 = arith.index_cast %parallel_loop3A_253 : i32 to index
        %parallel_loop3A_295 = arith.index_cast %parallel_loop3A_257 : i32 to index
        %parallel_loop3A_296 = tpu.vector_load %arg9[%parallel_loop3A_293, %parallel_loop3A_294, %parallel_loop3A_295] {strides = array<i32>} : memref<16x8x256xf32, #tpu.memory_space<vmem>>, vector<16xf32>,
        tpu.vector_store %arg9[%parallel_loop3A_293, %parallel_loop3A_294, %parallel_loop3A_295], %parallel_loop3A_291 {strides = array<i32>} : memref<16x8x256xf32, #tpu.memory_space<vmem>>, vector<16xf32>,
        %parallel_loop3A_297 = arith.constant 20 : i32
        %parallel_loop3A_298 = vector.broadcast %parallel_loop3A_297 : i32 to vector<16xi32>
        %parallel_loop3A_299 = arith.addi %parallel_loop3A_260, %parallel_loop3A_298 : vector<16xi32>
        %parallel_loop3A_300 = tpu.vector_load_idx %arg5[%parallel_loop3A_299] : memref<128xf32, #tpu.memory_space<vmem>>[vector<16xi32>], vector<16xf32>,
        %parallel_loop3A_301 = arith.constant 4 : i32
        %parallel_loop3A_302 = arith.index_cast %parallel_loop3A_301 : i32 to index
        %parallel_loop3A_303 = arith.index_cast %parallel_loop3A_253 : i32 to index
        %parallel_loop3A_304 = arith.index_cast %parallel_loop3A_257 : i32 to index
        %parallel_loop3A_305 = tpu.vector_load %arg9[%parallel_loop3A_302, %parallel_loop3A_303, %parallel_loop3A_304] {strides = array<i32>} : memref<16x8x256xf32, #tpu.memory_space<vmem>>, vector<16xf32>,
        tpu.vector_store %arg9[%parallel_loop3A_302, %parallel_loop3A_303, %parallel_loop3A_304], %parallel_loop3A_300 {strides = array<i32>} : memref<16x8x256xf32, #tpu.memory_space<vmem>>, vector<16xf32>,
        %parallel_loop3A_306 = arith.constant 25 : i32
        %parallel_loop3A_307 = vector.broadcast %parallel_loop3A_306 : i32 to vector<16xi32>
        %parallel_loop3A_308 = arith.addi %parallel_loop3A_260, %parallel_loop3A_307 : vector<16xi32>
        %parallel_loop3A_309 = tpu.vector_load_idx %arg5[%parallel_loop3A_308] : memref<128xf32, #tpu.memory_space<vmem>>[vector<16xi32>], vector<16xf32>,
        %parallel_loop3A_310 = arith.constant 5 : i32
        %parallel_loop3A_311 = arith.index_cast %parallel_loop3A_310 : i32 to index
        %parallel_loop3A_312 = arith.index_cast %parallel_loop3A_253 : i32 to index
        %parallel_loop3A_313 = arith.index_cast %parallel_loop3A_257 : i32 to index
        %parallel_loop3A_314 = tpu.vector_load %arg9[%parallel_loop3A_311, %parallel_loop3A_312, %parallel_loop3A_313] {strides = array<i32>} : memref<16x8x256xf32, #tpu.memory_space<vmem>>, vector<16xf32>,
        tpu.vector_store %arg9[%parallel_loop3A_311, %parallel_loop3A_312, %parallel_loop3A_313], %parallel_loop3A_309 {strides = array<i32>} : memref<16x8x256xf32, #tpu.memory_space<vmem>>, vector<16xf32>,
        %parallel_loop3A_315 = arith.constant 30 : i32
        %parallel_loop3A_316 = vector.broadcast %parallel_loop3A_315 : i32 to vector<16xi32>
        %parallel_loop3A_317 = arith.addi %parallel_loop3A_260, %parallel_loop3A_316 : vector<16xi32>
        %parallel_loop3A_318 = tpu.vector_load_idx %arg5[%parallel_loop3A_317] : memref<128xf32, #tpu.memory_space<vmem>>[vector<16xi32>], vector<16xf32>,
        %parallel_loop3A_319 = arith.constant 6 : i32
        %parallel_loop3A_320 = arith.index_cast %parallel_loop3A_319 : i32 to index
        %parallel_loop3A_321 = arith.index_cast %parallel_loop3A_253 : i32 to index
        %parallel_loop3A_322 = arith.index_cast %parallel_loop3A_257 : i32 to index
        %parallel_loop3A_323 = tpu.vector_load %arg9[%parallel_loop3A_320, %parallel_loop3A_321, %parallel_loop3A_322] {strides = array<i32>} : memref<16x8x256xf32, #tpu.memory_space<vmem>>, vector<16xf32>,
        tpu.vector_store %arg9[%parallel_loop3A_320, %parallel_loop3A_321, %parallel_loop3A_322], %parallel_loop3A_318 {strides = array<i32>} : memref<16x8x256xf32, #tpu.memory_space<vmem>>, vector<16xf32>,
        %parallel_loop3A_324 = arith.constant 35 : i32
        %parallel_loop3A_325 = vector.broadcast %parallel_loop3A_324 : i32 to vector<16xi32>
        %parallel_loop3A_326 = arith.addi %parallel_loop3A_260, %parallel_loop3A_325 : vector<16xi32>
        %parallel_loop3A_327 = tpu.vector_load_idx %arg5[%parallel_loop3A_326] : memref<128xf32, #tpu.memory_space<vmem>>[vector<16xi32>], vector<16xf32>,
        %parallel_loop3A_328 = arith.constant 7 : i32
        %parallel_loop3A_329 = arith.index_cast %parallel_loop3A_328 : i32 to index
        %parallel_loop3A_330 = arith.index_cast %parallel_loop3A_253 : i32 to index
        %parallel_loop3A_331 = arith.index_cast %parallel_loop3A_257 : i32 to index
        %parallel_loop3A_332 = tpu.vector_load %arg9[%parallel_loop3A_329, %parallel_loop3A_330, %parallel_loop3A_331] {strides = array<i32>} : memref<16x8x256xf32, #tpu.memory_space<vmem>>, vector<16xf32>,
        tpu.vector_store %arg9[%parallel_loop3A_329, %parallel_loop3A_330, %parallel_loop3A_331], %parallel_loop3A_327 {strides = array<i32>} : memref<16x8x256xf32, #tpu.memory_space<vmem>>, vector<16xf32>,
        %parallel_loop3A_333 = arith.constant 40 : i32
        %parallel_loop3A_334 = vector.broadcast %parallel_loop3A_333 : i32 to vector<16xi32>
        %parallel_loop3A_335 = arith.addi %parallel_loop3A_260, %parallel_loop3A_334 : vector<16xi32>
        %parallel_loop3A_336 = tpu.vector_load_idx %arg5[%parallel_loop3A_335] : memref<128xf32, #tpu.memory_space<vmem>>[vector<16xi32>], vector<16xf32>,
        %parallel_loop3A_337 = arith.constant 8 : i32
        %parallel_loop3A_338 = arith.index_cast %parallel_loop3A_337 : i32 to index
        %parallel_loop3A_339 = arith.index_cast %parallel_loop3A_253 : i32 to index
        %parallel_loop3A_340 = arith.index_cast %parallel_loop3A_257 : i32 to index
        %parallel_loop3A_341 = tpu.vector_load %arg9[%parallel_loop3A_338, %parallel_loop3A_339, %parallel_loop3A_340] {strides = array<i32>} : memref<16x8x256xf32, #tpu.memory_space<vmem>>, vector<16xf32>,
        tpu.vector_store %arg9[%parallel_loop3A_338, %parallel_loop3A_339, %parallel_loop3A_340], %parallel_loop3A_336 {strides = array<i32>} : memref<16x8x256xf32, #tpu.memory_space<vmem>>, vector<16xf32>,
        %parallel_loop3A_342 = arith.constant 45 : i32
        %parallel_loop3A_343 = vector.broadcast %parallel_loop3A_342 : i32 to vector<16xi32>
        %parallel_loop3A_344 = arith.addi %parallel_loop3A_260, %parallel_loop3A_343 : vector<16xi32>
        %parallel_loop3A_345 = tpu.vector_load_idx %arg5[%parallel_loop3A_344] : memref<128xf32, #tpu.memory_space<vmem>>[vector<16xi32>], vector<16xf32>,
        %parallel_loop3A_346 = arith.constant 9 : i32
        %parallel_loop3A_347 = arith.index_cast %parallel_loop3A_346 : i32 to index
        %parallel_loop3A_348 = arith.index_cast %parallel_loop3A_253 : i32 to index
        %parallel_loop3A_349 = arith.index_cast %parallel_loop3A_257 : i32 to index
        %parallel_loop3A_350 = tpu.vector_load %arg9[%parallel_loop3A_347, %parallel_loop3A_348, %parallel_loop3A_349] {strides = array<i32>} : memref<16x8x256xf32, #tpu.memory_space<vmem>>, vector<16xf32>,
        tpu.vector_store %arg9[%parallel_loop3A_347, %parallel_loop3A_348, %parallel_loop3A_349], %parallel_loop3A_345 {strides = array<i32>} : memref<16x8x256xf32, #tpu.memory_space<vmem>>, vector<16xf32>,
        %parallel_loop3A_351 = arith.constant 50 : i32
        %parallel_loop3A_352 = vector.broadcast %parallel_loop3A_351 : i32 to vector<16xi32>
        %parallel_loop3A_353 = arith.addi %parallel_loop3A_260, %parallel_loop3A_352 : vector<16xi32>
        %parallel_loop3A_354 = tpu.vector_load_idx %arg5[%parallel_loop3A_353] : memref<128xf32, #tpu.memory_space<vmem>>[vector<16xi32>], vector<16xf32>,
        %parallel_loop3A_355 = arith.constant 10 : i32
        %parallel_loop3A_356 = arith.index_cast %parallel_loop3A_355 : i32 to index
        %parallel_loop3A_357 = arith.index_cast %parallel_loop3A_253 : i32 to index
        %parallel_loop3A_358 = arith.index_cast %parallel_loop3A_257 : i32 to index
        %parallel_loop3A_359 = tpu.vector_load %arg9[%parallel_loop3A_356, %parallel_loop3A_357, %parallel_loop3A_358] {strides = array<i32>} : memref<16x8x256xf32, #tpu.memory_space<vmem>>, vector<16xf32>,
        tpu.vector_store %arg9[%parallel_loop3A_356, %parallel_loop3A_357, %parallel_loop3A_358], %parallel_loop3A_354 {strides = array<i32>} : memref<16x8x256xf32, #tpu.memory_space<vmem>>, vector<16xf32>,
        %parallel_loop3A_360 = arith.constant 55 : i32
        %parallel_loop3A_361 = vector.broadcast %parallel_loop3A_360 : i32 to vector<16xi32>
        %parallel_loop3A_362 = arith.addi %parallel_loop3A_260, %parallel_loop3A_361 : vector<16xi32>
        %parallel_loop3A_363 = tpu.vector_load_idx %arg5[%parallel_loop3A_362] : memref<128xf32, #tpu.memory_space<vmem>>[vector<16xi32>], vector<16xf32>,
        %parallel_loop3A_364 = arith.constant 11 : i32
        %parallel_loop3A_365 = arith.index_cast %parallel_loop3A_364 : i32 to index
        %parallel_loop3A_366 = arith.index_cast %parallel_loop3A_253 : i32 to index
        %parallel_loop3A_367 = arith.index_cast %parallel_loop3A_257 : i32 to index
        %parallel_loop3A_368 = tpu.vector_load %arg9[%parallel_loop3A_365, %parallel_loop3A_366, %parallel_loop3A_367] {strides = array<i32>} : memref<16x8x256xf32, #tpu.memory_space<vmem>>, vector<16xf32>,
        tpu.vector_store %arg9[%parallel_loop3A_365, %parallel_loop3A_366, %parallel_loop3A_367], %parallel_loop3A_363 {strides = array<i32>} : memref<16x8x256xf32, #tpu.memory_space<vmem>>, vector<16xf32>,
        %parallel_loop3A_369 = arith.constant 60 : i32
        %parallel_loop3A_370 = vector.broadcast %parallel_loop3A_369 : i32 to vector<16xi32>
        %parallel_loop3A_371 = arith.addi %parallel_loop3A_260, %parallel_loop3A_370 : vector<16xi32>
        %parallel_loop3A_372 = tpu.vector_load_idx %arg5[%parallel_loop3A_371] : memref<128xf32, #tpu.memory_space<vmem>>[vector<16xi32>], vector<16xf32>,
        %parallel_loop3A_373 = arith.constant 12 : i32
        %parallel_loop3A_374 = arith.index_cast %parallel_loop3A_373 : i32 to index
        %parallel_loop3A_375 = arith.index_cast %parallel_loop3A_253 : i32 to index
        %parallel_loop3A_376 = arith.index_cast %parallel_loop3A_257 : i32 to index
        %parallel_loop3A_377 = tpu.vector_load %arg9[%parallel_loop3A_374, %parallel_loop3A_375, %parallel_loop3A_376] {strides = array<i32>} : memref<16x8x256xf32, #tpu.memory_space<vmem>>, vector<16xf32>,
        tpu.vector_store %arg9[%parallel_loop3A_374, %parallel_loop3A_375, %parallel_loop3A_376], %parallel_loop3A_372 {strides = array<i32>} : memref<16x8x256xf32, #tpu.memory_space<vmem>>, vector<16xf32>,
        %parallel_loop3A_378 = arith.constant 65 : i32
        %parallel_loop3A_379 = vector.broadcast %parallel_loop3A_378 : i32 to vector<16xi32>
        %parallel_loop3A_380 = arith.addi %parallel_loop3A_260, %parallel_loop3A_379 : vector<16xi32>
        %parallel_loop3A_381 = tpu.vector_load_idx %arg5[%parallel_loop3A_380] : memref<128xf32, #tpu.memory_space<vmem>>[vector<16xi32>], vector<16xf32>,
        %parallel_loop3A_382 = arith.constant 13 : i32
        %parallel_loop3A_383 = arith.index_cast %parallel_loop3A_382 : i32 to index
        %parallel_loop3A_384 = arith.index_cast %parallel_loop3A_253 : i32 to index
        %parallel_loop3A_385 = arith.index_cast %parallel_loop3A_257 : i32 to index
        %parallel_loop3A_386 = tpu.vector_load %arg9[%parallel_loop3A_383, %parallel_loop3A_384, %parallel_loop3A_385] {strides = array<i32>} : memref<16x8x256xf32, #tpu.memory_space<vmem>>, vector<16xf32>,
        tpu.vector_store %arg9[%parallel_loop3A_383, %parallel_loop3A_384, %parallel_loop3A_385], %parallel_loop3A_381 {strides = array<i32>} : memref<16x8x256xf32, #tpu.memory_space<vmem>>, vector<16xf32>,
        %parallel_loop3A_387 = arith.constant 70 : i32
        %parallel_loop3A_388 = vector.broadcast %parallel_loop3A_387 : i32 to vector<16xi32>
        %parallel_loop3A_389 = arith.addi %parallel_loop3A_260, %parallel_loop3A_388 : vector<16xi32>
        %parallel_loop3A_390 = tpu.vector_load_idx %arg5[%parallel_loop3A_389] : memref<128xf32, #tpu.memory_space<vmem>>[vector<16xi32>], vector<16xf32>,
        %parallel_loop3A_391 = arith.constant 14 : i32
        %parallel_loop3A_392 = arith.index_cast %parallel_loop3A_391 : i32 to index
        %parallel_loop3A_393 = arith.index_cast %parallel_loop3A_253 : i32 to index
        %parallel_loop3A_394 = arith.index_cast %parallel_loop3A_257 : i32 to index
        %parallel_loop3A_395 = tpu.vector_load %arg9[%parallel_loop3A_392, %parallel_loop3A_393, %parallel_loop3A_394] {strides = array<i32>} : memref<16x8x256xf32, #tpu.memory_space<vmem>>, vector<16xf32>,
        tpu.vector_store %arg9[%parallel_loop3A_392, %parallel_loop3A_393, %parallel_loop3A_394], %parallel_loop3A_390 {strides = array<i32>} : memref<16x8x256xf32, #tpu.memory_space<vmem>>, vector<16xf32>,
        %parallel_loop3A_396 = arith.constant 75 : i32
        %parallel_loop3A_397 = vector.broadcast %parallel_loop3A_396 : i32 to vector<16xi32>
        %parallel_loop3A_398 = arith.addi %parallel_loop3A_260, %parallel_loop3A_397 : vector<16xi32>
        %parallel_loop3A_399 = tpu.vector_load_idx %arg5[%parallel_loop3A_398] : memref<128xf32, #tpu.memory_space<vmem>>[vector<16xi32>], vector<16xf32>,
        %parallel_loop3A_400 = arith.constant 15 : i32
        %parallel_loop3A_401 = arith.index_cast %parallel_loop3A_400 : i32 to index
        %parallel_loop3A_402 = arith.index_cast %parallel_loop3A_253 : i32 to index
        %parallel_loop3A_403 = arith.index_cast %parallel_loop3A_257 : i32 to index
        %parallel_loop3A_404 = tpu.vector_load %arg9[%parallel_loop3A_401, %parallel_loop3A_402, %parallel_loop3A_403] {strides = array<i32>} : memref<16x8x256xf32, #tpu.memory_space<vmem>>, vector<16xf32>,
        tpu.vector_store %arg9[%parallel_loop3A_401, %parallel_loop3A_402, %parallel_loop3A_403], %parallel_loop3A_399 {strides = array<i32>} : memref<16x8x256xf32, #tpu.memory_space<vmem>>, vector<16xf32>,
      } {sc.loop_unroll_factor = 1 : i64, sc.parallel_access}
      %add3A_195 = arith.constant 2 : i32
      %add3A_196 = arith.addi %add3A_139, %add3A_195 : i32
      %lt3A_197 = arith.constant 64 : i32
      %lt3A_198 = arith.cmpi slt, %add3A_196, %lt3A_197 : i32
      %convert_element_type3A_199 = arith.extui %lt3A_198 : i1 to i32
      %cond3A_200 = arith.constant 0 : i32
      %cond3A_201 = arith.cmpi ne, %convert_element_type3A_199, %cond3A_200 : i32
      scf.if %cond3A_201 {
        %add3A_251 = arith.constant 2 : i32
        %add3A_252 = arith.addi %add3A_139, %add3A_251 : i32
        %jit3A_253 = arith.constant 8 : i32
        %div3A_254 = arith.divsi %add3A_252, %jit3A_253 : i32
        %sign3A_255 = arith.constant 0 : i32
        %sign3A_256 = arith.cmpi sgt, %add3A_252, %sign3A_255 : i32
        %sign3A_257 = arith.extui %sign3A_256 : i1 to i32
        %sign3A_258 = arith.constant 0 : i32
        %sign3A_259 = arith.cmpi slt, %add3A_252, %sign3A_258 : i32
        %sign3A_260 = arith.extui %sign3A_259 : i1 to i32
        %sign3A_261 = arith.subi %sign3A_257, %sign3A_260 : i32
        %sign3A_262 = arith.constant 0 : i32
        %sign3A_263 = arith.cmpi sgt, %jit3A_253, %sign3A_262 : i32
        %sign3A_264 = arith.extui %sign3A_263 : i1 to i32
        %sign3A_265 = arith.constant 0 : i32
        %sign3A_266 = arith.cmpi slt, %jit3A_253, %sign3A_265 : i32
        %sign3A_267 = arith.extui %sign3A_266 : i1 to i32
        %sign3A_268 = arith.subi %sign3A_264, %sign3A_267 : i32
        %ne3A_269 = arith.cmpi ne, %sign3A_261, %sign3A_268 : i32
        %rem3A_270 = arith.remsi %add3A_252, %jit3A_253 : i32
        %ne3A_271 = arith.constant 0 : i32
        %ne3A_272 = arith.cmpi ne, %rem3A_270, %ne3A_271 : i32
        %and3A_273 = arith.andi %ne3A_269, %ne3A_272 : i1
        %sub3A_274 = arith.constant 1 : i32
        %sub3A_275 = arith.subi %div3A_254, %sub3A_274 : i32
        %select_n3A_276 = arith.select %and3A_273, %sub3A_275, %div3A_254 : i32
        %mul3A_277 = arith.constant 8 : i32
        %mul3A_278 = arith.muli %select_n3A_276, %mul3A_277 : i32
        %add3A_279 = arith.addi %mul3A_2, %mul3A_278 : i32
        %jit3A_280 = arith.constant 8 : i32
        %eq3A_281 = arith.constant 0 : i32
        %eq3A_282 = arith.cmpi eq, %jit3A_280, %eq3A_281 : i32
        %jit3A_283 = arith.constant 1 : i32
        %select_n3A_284 = arith.select %eq3A_282, %jit3A_283, %jit3A_280 : i32
        %rem3A_285 = arith.remsi %add3A_252, %select_n3A_284 : i32
        %ne3A_286 = arith.constant 0 : i32
        %ne3A_287 = arith.cmpi ne, %rem3A_285, %ne3A_286 : i32
        %lt3A_288 = arith.constant 0 : i32
        %lt3A_289 = arith.cmpi slt, %rem3A_285, %lt3A_288 : i32
        %lt3A_290 = arith.constant 0 : i32
        %lt3A_291 = arith.cmpi slt, %select_n3A_284, %lt3A_290 : i32
        %ne3A_292 = arith.xori %lt3A_289, %lt3A_291 : i1
        %and3A_293 = arith.andi %ne3A_292, %ne3A_287 : i1
        %add3A_294 = arith.addi %rem3A_285, %select_n3A_284 : i32
        %select_n3A_295 = arith.select %and3A_293, %add3A_294, %rem3A_285 : i32
        %mul3A_296 = arith.constant 256 : i32
        %mul3A_297 = arith.muli %select_n3A_295, %mul3A_296 : i32
        %dma_start3A_298 = tpu.memref_slice %arg2[%add3A_279, %mul3A_297] : memref<2048x2048xi32, #tpu.memory_space<hbm>> -> memref<8x256xi32, #tpu.memory_space<hbm>>
        %dma_start3A_299 = tpu.memref_slice %arg2[%add3A_279, %mul3A_297] : memref<2048x2048xi32, #tpu.memory_space<hbm>> -> memref<8x256xi32, #tpu.memory_space<hbm>>
        tpu.enqueue_dma source(%dma_start3A_299 : memref<8x256xi32, #tpu.memory_space<hbm>>) target(%arg7 : memref<8x256xi32, #tpu.memory_space<vmem>>) target_semaphore(%arg11 : memref<!tpu.dma_semaphore, #tpu.memory_space<semaphore_mem>>)
      } else {
      }
      %jit3A_202 = arith.constant 8 : i32
      %div3A_203 = arith.divsi %add3A_139, %jit3A_202 : i32
      %sign3A_204 = arith.constant 0 : i32
      %sign3A_205 = arith.cmpi sgt, %add3A_139, %sign3A_204 : i32
      %sign3A_206 = arith.extui %sign3A_205 : i1 to i32
      %sign3A_207 = arith.constant 0 : i32
      %sign3A_208 = arith.cmpi slt, %add3A_139, %sign3A_207 : i32
      %sign3A_209 = arith.extui %sign3A_208 : i1 to i32
      %sign3A_210 = arith.subi %sign3A_206, %sign3A_209 : i32
      %sign3A_211 = arith.constant 0 : i32
      %sign3A_212 = arith.cmpi sgt, %jit3A_202, %sign3A_211 : i32
      %sign3A_213 = arith.extui %sign3A_212 : i1 to i32
      %sign3A_214 = arith.constant 0 : i32
      %sign3A_215 = arith.cmpi slt, %jit3A_202, %sign3A_214 : i32
      %sign3A_216 = arith.extui %sign3A_215 : i1 to i32
      %sign3A_217 = arith.subi %sign3A_213, %sign3A_216 : i32
      %ne3A_218 = arith.cmpi ne, %sign3A_210, %sign3A_217 : i32
      %rem3A_219 = arith.remsi %add3A_139, %jit3A_202 : i32
      %ne3A_220 = arith.constant 0 : i32
      %ne3A_221 = arith.cmpi ne, %rem3A_219, %ne3A_220 : i32
      %and3A_222 = arith.andi %ne3A_218, %ne3A_221 : i1
      %sub3A_223 = arith.constant 1 : i32
      %sub3A_224 = arith.subi %div3A_203, %sub3A_223 : i32
      %select_n3A_225 = arith.select %and3A_222, %sub3A_224, %div3A_203 : i32
      %mul3A_226 = arith.constant 8 : i32
      %mul3A_227 = arith.muli %select_n3A_225, %mul3A_226 : i32
      %add3A_228 = arith.addi %mul3A_2, %mul3A_227 : i32
      %jit3A_229 = arith.constant 8 : i32
      %eq3A_230 = arith.constant 0 : i32
      %eq3A_231 = arith.cmpi eq, %jit3A_229, %eq3A_230 : i32
      %jit3A_232 = arith.constant 1 : i32
      %select_n3A_233 = arith.select %eq3A_231, %jit3A_232, %jit3A_229 : i32
      %rem3A_234 = arith.remsi %add3A_139, %select_n3A_233 : i32
      %ne3A_235 = arith.constant 0 : i32
      %ne3A_236 = arith.cmpi ne, %rem3A_234, %ne3A_235 : i32
      %lt3A_237 = arith.constant 0 : i32
      %lt3A_238 = arith.cmpi slt, %rem3A_234, %lt3A_237 : i32
      %lt3A_239 = arith.constant 0 : i32
      %lt3A_240 = arith.cmpi slt, %select_n3A_233, %lt3A_239 : i32
      %ne3A_241 = arith.xori %lt3A_238, %lt3A_240 : i1
      %and3A_242 = arith.andi %ne3A_241, %ne3A_236 : i1
      %add3A_243 = arith.addi %rem3A_234, %select_n3A_233 : i32
      %select_n3A_244 = arith.select %and3A_242, %add3A_243, %rem3A_234 : i32
      %mul3A_245 = arith.constant 256 : i32
      %mul3A_246 = arith.muli %select_n3A_244, %mul3A_245 : i32
      %dma_start3A_247 = arith.constant 0 : i32
      %dma_start3A_248 = tpu.memref_slice %arg4[%dma_start3A_247, %add3A_228, %mul3A_246] : memref<16x2048x2048xf32, #tpu.memory_space<hbm>> -> memref<16x8x256xf32, #tpu.memory_space<hbm>>
      %dma_start3A_249 = arith.constant 0 : i32
      %dma_start3A_250 = tpu.memref_slice %arg4[%dma_start3A_249, %add3A_228, %mul3A_246] : memref<16x2048x2048xf32, #tpu.memory_space<hbm>> -> memref<16x8x256xf32, #tpu.memory_space<hbm>>
      tpu.enqueue_dma source(%arg9 : memref<16x8x256xf32, #tpu.memory_space<vmem>>) target(%dma_start3A_250 : memref<16x8x256xf32, #tpu.memory_space<hbm>>) target_semaphore(%arg13 : memref<!tpu.dma_semaphore, #tpu.memory_space<semaphore_mem>>)
    }
    %scan3A_18 = arith.constant 32 : i32
    %add3A_19 = arith.constant 56 : i32
    %add3A_20 = arith.addi %mul3A_2, %add3A_19 : i32
    %dma_wait3A = arith.constant 0 : i32
    %dma_wait3A_21 = arith.constant 1536 : i32
    %dma_wait3A_22 = tpu.memref_slice %arg4[%dma_wait3A, %add3A_20, %dma_wait3A_21] : memref<16x2048x2048xf32, #tpu.memory_space<hbm>> -> memref<16x8x256xf32, #tpu.memory_space<hbm>>
    %dma_wait3A_23 = arith.constant 0 : i32
    %dma_wait3A_24 = arith.constant 1536 : i32
    %dma_wait3A_25 = tpu.memref_slice %arg4[%dma_wait3A_23, %add3A_20, %dma_wait3A_24] : memref<16x2048x2048xf32, #tpu.memory_space<hbm>> -> memref<16x8x256xf32, #tpu.memory_space<hbm>>
    tpu.wait_dma2 semaphore(%arg12 : memref<!tpu.dma_semaphore, #tpu.memory_space<semaphore_mem>>) src(%arg8 : memref<16x8x256xf32, #tpu.memory_space<vmem>>) dst(%dma_wait3A_25 : memref<16x8x256xf32, #tpu.memory_space<hbm>>)
    %add3A_26 = arith.constant 56 : i32
    %add3A_27 = arith.addi %mul3A_2, %add3A_26 : i32
    %dma_wait3A_28 = arith.constant 0 : i32
    %dma_wait3A_29 = arith.constant 1792 : i32
    %dma_wait3A_30 = tpu.memref_slice %arg4[%dma_wait3A_28, %add3A_27, %dma_wait3A_29] : memref<16x2048x2048xf32, #tpu.memory_space<hbm>> -> memref<16x8x256xf32, #tpu.memory_space<hbm>>
    %dma_wait3A_31 = arith.constant 0 : i32
    %dma_wait3A_32 = arith.constant 1792 : i32
    %dma_wait3A_33 = tpu.memref_slice %arg4[%dma_wait3A_31, %add3A_27, %dma_wait3A_32] : memref<16x2048x2048xf32, #tpu.memory_space<hbm>> -> memref<16x8x256xf32, #tpu.memory_space<hbm>>
    tpu.wait_dma2 semaphore(%arg13 : memref<!tpu.dma_semaphore, #tpu.memory_space<semaphore_mem>>) src(%arg9 : memref<16x8x256xf32, #tpu.memory_space<vmem>>) dst(%dma_wait3A_33 : memref<16x8x256xf32, #tpu.memory_space<hbm>>)
    return
  }
}

</mosaic_0001>

<sc_bundles>
// kernel: kernel.3.cloned.1.call-start
scs
__scs_entry_jumppad:
0x0: {  	(pc) =	sbr.rel $0x88, $3  }
0x1: {  	(tag) =	ssettag $0x0;
	lr =	simm.s32 $0x1  }
0x2: {  	[smem:$0x3F9F] =	sst lr;
	_ =	strace $0xD0000000  }
0x3: {  	_ = 	snop  }
0x4: {  	_ = 	snop  }
0x5: {  	_ = 	snop  }
0x6: {  	_ = 	snop  }
0x7: {  	_ = 	snop  }
__scs_overlays_trampoline_lowered:
0x8: {  	[smem:$0x3FAE] =	sst s0  }
0x9: {  	[smem:$0x3FAF] =	sst s1  }
0xa: {  	[smem:$0x3FB0] =	sst s2  }
0xb: {  	[smem:$0x3FB1] =	sst s3  }
0xc: {  	[smem:$0x3FB2] =	sst s4  }
0xd: {  	[smem:$0x3FB3] =	sst s5  }
0xe: {  	[smem:$0x3FB4] =	sst s6  }
0xf: {  	[smem:$0x3FB5] =	sst s7  }
0x10: {  	[smem:$0x3FB6] =	sst s8  }
0x11: {  	[smem:$0x3FB7] =	sst s9;
	s0 =	simm.s32 @!p0 $0x0  }
0x12: {  	s1 =	sld [smem:$0x3F9D];
	s0 =	simm.s32 @p0 $0x1  }
0x13: {  	[smem:$0x3FB8] =	sst s0;
	s0 =	simm.s32 @!p1 $0x0  }
0x14: {  	s2 =	sld [smem:$0x3F9C];
	s0 =	simm.s32 @p1 $0x1  }
0x15: {  	[smem:$0x3FB9] =	sst s0;
	s0 =	simm.s32 @!p2 $0x0  }
0x16: {  	s3 =	sld [smem:$0x3FDB];
	s0 =	simm.s32 @p2 $0x1  }
0x17: {  	s4 =	simm.s32 $0x1BF5;
	[smem:$0x3FBB] =	sst s0  }
0x18: {  	s0 =	sld [smem:$0x3F9E];
	_ =	swait.ge [sflag:s4], $0x0  }
0x19: {  	s7 =	sld [smem:$0x3F9F]  }
0x1a: {  	s8 =	sadd.s32 $0xFFFFE003, lr  }
0x1b: {  	s9 =	sadd.s32 $0xFFFFFEF7, lr;
	s5 =	simm.s32 $0xFFFFFFFF;
	p2 =	slt.u32 s8, $0xFFFFF086  }
0x1c: {  	p1 =	slt.u32 s9, $0xF7A;
	s5 =	simm.s32 @!p2 $0x0  }
0x1d: {  	s5 =	simm.s32 @p1 $0x1;
	p0 =	seq.s32 s7, s2  }
0x1e: {  	s7 =	smul.u32 @!p0 $0xF7A, s2;
	p2 =	seq.s32 @!p0 s5, $0x0  }
0x1f: {  	s9 =	smul.u32 $0xF7A, s1;
	s8 =	simm.s32 @!p0 $0x1BF5;
	p2 =	por !p2, p0  }
0x20: {  	[sflag:s8] =	ssyncset.s32 @!p0 $0xFFFFF086;
	s6 =	sadd.s32 @!p0 s3, s7;
	s7 =	simm.s32 @!p0 $0x108  }
0x21: {  	s3 =	sadd.s32 s3, s9;
	s6 =	sadd.s32 @!p0 $0x88, s6;
	s7 =	simm.s32 @p2 $0x1082  }
0x22: {  	[simem:s7], [sflag:s8] =	dma.local @!p0 [hbm:s6], $0xF7A  }
0x23: {  	s9 =	sor.u32 $0xD0000000, s2;
	s6 =	simm.s32 $0x108;
	_ =	swait.ge @!p0 [sflag:s8], $0x0  }
0x24: {  	s3 =	sadd.s32 $0x88, s3;
	s6 =	simm.s32 @!p1 $0x1082;
	[sflag:s4] =	ssyncset.s32 $0xFFFFF086  }
0x25: {  	[simem:s6], [sflag:s4] =	dma.local [hbm:s3], $0xF7A  }
0x26: {  	[smem:$0x3F9F] =	sst s1;
	(tag) =	ssettag s2;
	_ =	strace s9  }
0x27: {  	s1 =	sld [smem:$0x3FAF]  }
0x28: {  	s2 =	sld [smem:$0x3FB0]  }
0x29: {  	s4 =	sld [smem:$0x3FB2]  }
0x2a: {  	p0 =	seq.s32 s5, $0x0;
	s5 =	sld [smem:$0x3FB3]  }
0x2b: {  	s6 =	sld [smem:$0x3FB4]  }
0x2c: {  	s7 =	sld [smem:$0x3FB5]  }
0x2d: {  	s3 =	simm.s32 $0x108;
	s8 =	sld [smem:$0x3FB6]  }
0x2e: {  	s3 =	simm.s32 @!p0 $0x1082;
	s9 =	sld [smem:$0x3FB7]  }
0x2f: {  	lr =	sadd.s32 s0, s3;
	s0 =	sld [smem:$0x3FAE]  }
0x30: {  	s3 =	sld [smem:$0x3FB1]  }
0x31: {  	[smem:$0x3FBA] =	sst s10  }
0x32: {  	s10 =	sld [smem:$0x3FB8];
	_ =	sdelay $0x3  }
0x33: {  	p0 =	seq.s32 s10, $0x1;
	s10 =	sld [smem:$0x3FBA];
	_ =	sdelay $0x3  }
0x34: {  	[smem:$0x3FBA] =	sst s10  }
0x35: {  	s10 =	sld [smem:$0x3FB9];
	_ =	sdelay $0x3  }
0x36: {  	p1 =	seq.s32 s10, $0x1;
	s10 =	sld [smem:$0x3FBA];
	_ =	sdelay $0x3  }
0x37: {  	[smem:$0x3FBA] =	sst s10  }
0x38: {  	s10 =	sld [smem:$0x3FBB]  }
0x39: {  	_ = 	snop;
	(pc) =	sbr.ind lr, $3  }
0x3a: {  	_ = 	snop  }
0x3b: {  	_ = 	snop  }
0x3c: {  	p2 =	seq.s32 s10, $0x1;
	s10 =	sld [smem:$0x3FBA]  }
0x3d: {  	_ =	shalt  }
0x3e: {  	_ =	shalt  }
0x3f: {  	_ =	shalt  }
0x40: {  	_ =	shalt  }
0x41: {  	_ =	shalt  }
0x42: {  	_ =	shalt  }
0x43: {  	_ =	shalt  }
0x44: {  	_ =	shalt  }
0x45: {  	_ =	shalt  }
0x46: {  	_ =	shalt  }
0x47: {  	_ =	shalt  }
0x48: {  	_ =	shalt  }
0x49: {  	_ =	shalt  }
0x4a: {  	_ =	shalt  }
0x4b: {  	_ =	shalt  }
0x4c: {  	_ =	shalt  }
0x4d: {  	_ =	shalt  }
0x4e: {  	_ =	shalt  }
0x4f: {  	_ =	shalt  }
0x50: {  	_ =	shalt  }
0x51: {  	_ =	shalt  }
0x52: {  	_ =	shalt  }
0x53: {  	_ =	shalt  }
0x54: {  	_ =	shalt  }
0x55: {  	_ =	shalt  }
0x56: {  	_ =	shalt  }
0x57: {  	_ =	shalt  }
0x58: {  	_ =	shalt  }
0x59: {  	_ =	shalt  }
0x5a: {  	_ =	shalt  }
0x5b: {  	_ =	shalt  }
0x5c: {  	_ =	shalt  }
0x5d: {  	_ =	shalt  }
0x5e: {  	_ =	shalt  }
0x5f: {  	_ =	shalt  }
0x60: {  	_ =	shalt  }
0x61: {  	_ =	shalt  }
0x62: {  	_ =	shalt  }
0x63: {  	_ =	shalt  }
0x64: {  	_ =	shalt  }
0x65: {  	_ =	shalt  }
0x66: {  	_ =	shalt  }
0x67: {  	_ =	shalt  }
0x68: {  	_ =	shalt  }
0x69: {  	_ =	shalt  }
0x6a: {  	_ =	shalt  }
0x6b: {  	_ =	shalt  }
0x6c: {  	_ =	shalt  }
0x6d: {  	_ =	shalt  }
0x6e: {  	_ =	shalt  }
0x6f: {  	_ =	shalt  }
0x70: {  	_ =	shalt  }
0x71: {  	_ =	shalt  }
0x72: {  	_ =	shalt  }
0x73: {  	_ =	shalt  }
0x74: {  	_ =	shalt  }
0x75: {  	_ =	shalt  }
0x76: {  	_ =	shalt  }
0x77: {  	_ =	shalt  }
0x78: {  	_ =	shalt  }
0x79: {  	_ =	shalt  }
0x7a: {  	_ =	shalt  }
0x7b: {  	_ =	shalt  }
0x7c: {  	_ =	shalt  }
0x7d: {  	_ =	shalt  }
0x7e: {  	_ =	shalt  }
0x7f: {  	_ =	shalt  }
0x80: {  	_ =	shalt  }
0x81: {  	_ =	shalt  }
0x82: {  	_ =	shalt  }
0x83: {  	_ =	shalt  }
0x84: {  	_ =	shalt  }
0x85: {  	_ =	shalt  }
0x86: {  	_ =	shalt  }
0x87: {  	_ =	shalt  }
.Lfunc_end0:
.L_simem_size_0:
called_computation_lowered:
.L_overlay_start_0:
0x88: {  	s2 =	sld [smem:$0x3FD9]  }
0x89: {  	s3 =	sld [smem:$0x3FFE];
	_ =	sdelay $0x1  }
0x8a: {  	s1 =	srdreg.scid  }
0x8b: {  	s0 =	sand.u32 $0x1, s1  }
0x8c: {  	s17 =	sshll.u32 s0, $0xA;
	s2 =	sadd.s32 s3, s2  }
0x8d: {  	s2 =	sadd.s32 s2, s17  }
0x8e: {  	[smem:$0x3FC6] =	sst s2  }
0x8f: {  	_ = 	snop  }
0x90: {  	s2 =	sld [smem:$0x3FC9]  }
0x91: {  	s18 =	sld [smem:$0x3FD0];
	(tm) =	ssettm $0x1  }
0x92: {  	s4 =	sld [smem:$0x3FFB];
	_ =	sdelay $0x3  }
0x93: {  	_ =	strace s4  }
0x94: {  	s4 =	sld [smem:$0x3FFC];
	_ =	sdelay $0x3  }
0x95: {  	_ =	strace s4  }
0x96: {  	s4 =	sld [smem:$0x3FFD];
	_ =	sdelay $0x3  }
0x97: {  	_ =	strace s4  }
0x98: {  	_ =	strace $0x8FFFFFFF  }
0x99: {  	s19 =	sld [smem:$0x3FDB];
	_ =	sdelay $0x1  }
0x9a: {  	s5 =	simm.s32 $_scs_section_size  }
0x9b: {  	s6 =	simm.s32 $_size__tile_overlayer_lowered;
	s7 =	simm.s32 $_tile_overlayer_lowered  }
0x9c: {  	s22 =	simm.s32 $0x1BFF;
	s21 =	sshll.u32 s7, $0x1;
	s4 =	sadd.s32 s5, s19  }
0x9d: {  	s8 =	simm.s32 $0x0;
	s20 =	sshll.u32 s6, $0x1;
	s6 =	sadd.s32 s21, s4  }
0x9e: {  	[timem:s8], [sflag:s22] =	dma.local [hbm:s6], s20  }
0x9f: {  	_ =	swait.ge [sflag:s22], s20  }
0xa0: {  	s5 =	ssub.s32 $0x0, s20;
	[sflag:s22] =	ssyncset.done $0x0  }
0xa1: {  	[sflag:s22] =	ssyncadd.s32 s5;
	_ =	sdelay $0x1  }
0xa2: {  	s23 =	simm.s32 $0x1B8B  }
0xa3: {  	_ =	swait.ge [sflag:s23], $0x1  }
0xa4: {  	[sflag:s23] =	ssyncset.done $0x0  }
0xa5: {  	s25 =	simm.s32 $0x1B8E;
	s24 =	sld [smem:$0x3FFE];
	[sflag:s23] =	ssyncadd.s32 $0xFFFFFFFF  }
0xa6: {  	s26 =	simm.s32 $execute0_lowered;
	[smem:$0x3FD2] =	sst s25  }
0xa7: {  	s6 =	sshll.u32 s26, $0x1;
	_ =	strace $0x80000046;
	[dreg:$0x1] =	wrdreg $0xFFFFFFFF  }
0xa8: {  	s28 =	simm.s32 $_size_execute0_lowered;
	s4 =	sadd.s32 s4, s6;
	[dreg:$0x0] =	wrdreg $0x0  }
0xa9: {  	s6 =	sshll.u32 s28, $0x1;
	[dreg:$0x2] =	wrdreg s4  }
0xaa: {  	[dreg:$0x3] =	wrdreg s6  }
0xab: {  	[dreg:$0x4] =	wrdreg $0xC0  }
0xac: {  	_ =	task [dreg:s8], $0x5FFFF  }
0xad: {  	[dreg:$0x1] =	wrdreg $0xFFFFFFFF  }
0xae: {  	[dreg:$0x0] =	wrdreg $0x60  }
0xaf: {  	[dreg:$0x2] =	wrdreg s2  }
0xb0: {  	[dreg:$0x3] =	wrdreg s24  }
0xb1: {  	[dreg:$0x4] =	wrdreg s18  }
0xb2: {  	[dreg:$0x5] =	wrdreg $0x9  }
0xb3: {  	_ =	task.clear_ibuf [dreg:s8], $0x6FFFF;
	_ =	strace $0x90000046  }
0xb4: {  	s29 =	simm.s32 $0x9;
	_ =	strace $0x80000048  }
0xb5: {  	_ =	swait.ge [sflag:s29], $0x1  }
0xb6: {  	[sflag:s29] =	ssyncadd.s32 $0xFFFFFFFF  }
0xb7: {  	_ =	strace $0x90000048  }
0xb8: {  	_ =	sfence  }
0xb9: {  	s30 =	sld [smem:$0x0];
	_ =	sdelay $0x2  }
0xba: {  	s31 =	sshll.u32 s1, $0xD;
	s1 =	sshrl.u32 s1, $0x2  }
0xbb: {  	s3 =	sand.u32 $0x4000, s31;
	s1 =	sadd.s32 s1, s30  }
0xbc: {  	s0 =	sor.u32 s3, s0;
	s1 =	sshll.u32 s1, $0x11  }
0xbd: {  	s0 =	sor.u32 s1, s0  }
0xbe: {  	s0 =	sadd.s32 $0x8F2B, s0  }
0xbf: {  	[sflag:s0] =	ssyncadd.remote.s32 $0x1  }
0xc0: {  	_ =	sfence.sel $0xFFFF  }
0xc1: {  	[dreg:$0x0] =	wrdreg $0xFFFFFFFF;
	(pc) =	sbr.abs _section_cstart, $3  }
0xc2: {  	[dreg:$0x1] =	wrdreg $0xFFFFFFFF  }
0xc3: {  	_ =	task.clear_ibuf [dreg:s8], $0x2FFFF;
	_ =	strace $0x9FFFFFFF  }
0xc4: {  	(tm) =	ssettm $0x7FFFFFFF  }
0xc5: {  	_ =	shalt  }
tec
execute0_lowered:
.L_overlay_start_1:
0x0: {  	(tag) =	ssettag $0x1  }
0x1: {  	s1 =	rddreg [dreg:$0x0]  }
0x2: {  	s0 =	rddreg [dreg:$0x1]  }
0x3: {  	s3 =	rddreg [dreg:$0x2];
	s2 =	srdreg.scid  }
0x4: {  	s5 =	stileid.u32;
	s4 =	simm.s32 $0x0;
	s13 =	simm.s32 $0x1  }
0x5: {  	s14 =	simm.s32 $0x800;
	s15 =	simm.s32 $0x400000;
	s16 =	simm.s32 $0x1080  }
0x6: {  	s17 =	simm.s32 $0x2;
	s18 =	simm.s32 $0x9080;
	s2 =	sand.u32 $0x1, s2  }
0x7: {  	s5 =	sshll.u32 s5, $0x7;
	[smem:$0x7FF] =	sst s4;
	s6 =	sshll.u32 s2, $0x6  }
0x8: {  	s0 =	sadd.s32 $0x400, s0;
	s2 =	ssub.s32 $0x2, s2;
	s5 =	sor.u32 s6, s5  }
0x9: {  	_ =	strace $0x80000047;
	s29 =	sshrl.u32 s2, $0x1;
	s7 =	sshll.u32 s5, $0x8  }
0xa: {  	[dreg:$0x4] =	wrdreg s0;
	s30 =	ssub.s32 s2, s29;
	s31 =	sadd.s32 s1, s7  }
0xb: {  	s19 =	simm.s32 $0x3;
	s0 =	smax.u32 s30, $0x1;
	[dreg:$0x5] =	wrdreg s31  }
0xc: {  	s20 =	simm.s32 $0x4;
	s2 =	sadd.s32 $0x100, s31;
	[dreg:$0x7] =	wrdreg s0  }
0xd: {  	s21 =	simm.s32 $0x0;
	s8 =	sshrl.u32 s5, $0x3;
	[dreg:$0x6] =	wrdreg s2  }
.LBB2_1:
0xe: {  	s0 =	rddreg [dreg:$0x4];
	s28 =	simm.s32 $0x5  }
0xf: {  	[tilespmem:s4], [sflag:$0x5] =	stream.linear.gather [hbm4b:s0+s4], $0x80, $0x38;
	[tilespmem:$0x11080] =	vst v63  }
0x10: {  	_ =	swait.ge [sflag:s28], $0x80  }
0x11: {  	[sflag:s28] =	ssyncset.done $0x0  }
0x12: {  	s2 =	simm.s32 $0x80;
	s29 =	rddreg [dreg:$0x5];
	[sflag:s28] =	ssyncadd.s32 $0xFFFFFF80  }
0x13: {  	[tilespmem:s2], [sflag:$0x1] =	stream.linear.gather [hbm4b:s29+s4], $0x800, $0x38;
	[tilespmem:$0x11080] =	vst v63  }
0x14: {  	s31 =	simm.s32 $0x880;
	s22 =	simm.s32 $0x0;
	s30 =	rddreg [dreg:$0x6]  }
0x15: {  	[tilespmem:s31], [sflag:$0x2] =	stream.linear.gather [hbm4b:s30+s4], $0x800, $0x38;
	[tilespmem:$0x11080] =	vst v63  }
.LBB2_2:
0x16: {  	_ =	swait.ge [sflag:s13], $0x800  }
0x17: {  	p1 =	seq.s32 s22, $0x0;
	[sflag:s13] =	ssyncset.done $0x0  }
0x18: {  	s2 =	simm.s32 $0x0;
	s0 =	simm.s32 @!p1 $0x3;
	[sflag:s13] =	ssyncadd.s32 $0xFFFFF800  }
0x19: {  	s5 =	sand.u32 $0x400, s2;
	s7 =	sand.u32 $0x380, s2;
	_ =	swait.ge @!p1 [sflag:s0], $0x8000  }
0x1a: {  	s2 =	sand.u32 $0x70, s2;
	s5 =	sor.u32 s7, s5;
	[sflag:s0] =	ssyncset.done @!p1 $0x0  }
0x1b: {  	s30 =	sor.u32 s2, s5;
	[sflag:s0] =	ssyncadd.s32 @!p1 $0xFFFF8000  }
0x1c: {  	v7 =	vld [tilespmem:s30+$0x80];
	_ =	sdelay $0x7  }
0x1d: {  	v0 =	vld.idx.msk [tilespmem:v7+s4+$0x0], $0xffff  }
0x1e: {  	s24 =	simm.s32 $0x80;
	s25 =	simm.s32 $0x8;
	v1 =	vadd.s32 $0x5, v7  }
0x1f: {  	s26 =	simm.s32 $0x10;
	s2 =	sand.u32 $0x380, s25;
	s0 =	sand.u32 $0x400, s24  }
0x20: {  	s5 =	sand.u32 $0x70, s26;
	s0 =	sor.u32 s2, s0  }
0x21: {  	s26 =	sor.u32 s5, s0  }
0x22: {  	v2 =	vld [tilespmem:s26+$0x80];
	[tilespmem:s30+$0x1080] =	vst v0  }
0x23: {  	v0 =	vld.idx.msk [tilespmem:v1+s4+$0x0], $0xffff  }
0x24: {  	v1 =	vadd.s32 $0xA, v7;
	_ =	sdelay $0x3  }
0x25: {  	[tilespmem:s30+$0x1880] =	vst v0  }
0x26: {  	v0 =	vld.idx.msk [tilespmem:v1+s4+$0x0], $0xffff  }
0x27: {  	v1 =	vadd.s32 $0xF, v7  }
0x28: {  	v3 =	vld.idx.msk [tilespmem:v2+s4+$0x0], $0xffff  }
0x29: {  	v4 =	vadd.s32 $0x5, v2;
	_ =	sdelay $0x1  }
0x2a: {  	s2 =	simm.s32 $0x100;
	s5 =	simm.s32 $0x10;
	[tilespmem:s30+$0x2080] =	vst v0  }
0x2b: {  	s6 =	simm.s32 $0x20;
	s0 =	sand.u32 $0x400, s2;
	s2 =	sand.u32 $0x380, s5;
	v1 =	vld.idx.msk [tilespmem:v1+s4+$0x0], $0xffff  }
0x2c: {  	s5 =	sand.u32 $0x70, s6;
	s0 =	sor.u32 s2, s0;
	v5 =	vadd.s32 $0x14, v7;
	[tilespmem:s26+$0x1080] =	vst v3  }
0x2d: {  	s24 =	sor.u32 s5, s0;
	v3 =	vld.idx.msk [tilespmem:v4+s4+$0x0], $0xffff  }
0x2e: {  	v0 =	vld [tilespmem:s24+$0x80]  }
0x2f: {  	v4 =	vadd.s32 $0xA, v2  }
0x30: {  	[tilespmem:s30+$0x2880] =	vst v1  }
0x31: {  	v1 =	vld.idx.msk [tilespmem:v5+s4+$0x0], $0xffff  }
0x32: {  	v5 =	vadd.s32 $0x19, v7  }
0x33: {  	[tilespmem:s26+$0x1880] =	vst v3  }
0x34: {  	v3 =	vld.idx.msk [tilespmem:v4+s4+$0x0], $0xffff  }
0x35: {  	v4 =	vadd.s32 $0xF, v2  }
0x36: {  	v6 =	vld.idx.msk [tilespmem:v0+s4+$0x0], $0xffff;
	[tilespmem:s30+$0x3080] =	vst v1  }
0x37: {  	s9 =	simm.s32 $0x18;
	s7 =	simm.s32 $0x180;
	v8 =	vadd.s32 $0x5, v0;
	v5 =	vld.idx.msk [tilespmem:v5+s4+$0x0], $0xffff  }
0x38: {  	s10 =	simm.s32 $0x30;
	s2 =	sand.u32 $0x380, s9;
	s0 =	sand.u32 $0x400, s7;
	v9 =	vadd.s32 $0x1E, v7  }
0x39: {  	s5 =	sand.u32 $0x70, s10;
	s0 =	sor.u32 s2, s0;
	[tilespmem:s26+$0x2080] =	vst v3  }
0x3a: {  	s25 =	sor.u32 s5, s0;
	v3 =	vld.idx.msk [tilespmem:v4+s4+$0x0], $0xffff  }
0x3b: {  	v4 =	vadd.s32 $0x14, v2;
	v1 =	vld [tilespmem:s25+$0x80];
	[tilespmem:s24+$0x1080] =	vst v6  }
0x3c: {  	v6 =	vld.idx.msk [tilespmem:v8+s4+$0x0], $0xffff;
	[tilespmem:s30+$0x3880] =	vst v5  }
0x3d: {  	v8 =	vadd.s32 $0xA, v0;
	v5 =	vld.idx.msk [tilespmem:v9+s4+$0x0], $0xffff  }
0x3e: {  	v9 =	vadd.s32 $0x23, v7  }
0x3f: {  	[tilespmem:s26+$0x2880] =	vst v3  }
0x40: {  	v3 =	vld.idx.msk [tilespmem:v4+s4+$0x0], $0xffff  }
0x41: {  	v4 =	vadd.s32 $0x19, v2;
	[tilespmem:s24+$0x1880] =	vst v6  }
0x42: {  	v6 =	vld.idx.msk [tilespmem:v8+s4+$0x0], $0xffff;
	[tilespmem:s30+$0x4080] =	vst v5  }
0x43: {  	v8 =	vadd.s32 $0xF, v0;
	v5 =	vld.idx.msk [tilespmem:v9+s4+$0x0], $0xffff  }
0x44: {  	v9 =	vadd.s32 $0x28, v7  }
0x45: {  	[tilespmem:s26+$0x3080] =	vst v3;
	v10 =	vld.idx.msk [tilespmem:v1+s4+$0x0], $0xffff  }
0x46: {  	s11 =	simm.s32 $0x200;
	s12 =	simm.s32 $0x20;
	v4 =	vld.idx.msk [tilespmem:v4+s4+$0x0], $0xffff;
	v11 =	vadd.s32 $0x5, v1  }
0x47: {  	s23 =	simm.s32 $0x40;
	s2 =	sand.u32 $0x380, s12;
	s0 =	sand.u32 $0x400, s11;
	[tilespmem:s24+$0x2080] =	vst v6;
	v6 =	vadd.s32 $0x1E, v2  }
0x48: {  	s5 =	sand.u32 $0x70, s23;
	s0 =	sor.u32 s2, s0;
	v8 =	vld.idx.msk [tilespmem:v8+s4+$0x0], $0xffff;
	[tilespmem:s30+$0x4880] =	vst v5  }
0x49: {  	s28 =	sor.u32 s5, s0;
	v5 =	vld.idx.msk [tilespmem:v9+s4+$0x0], $0xffff;
	v9 =	vadd.s32 $0x14, v0  }
0x4a: {  	v3 =	vld [tilespmem:s28+$0x80];
	[tilespmem:s25+$0x1080] =	vst v10;
	v10 =	vadd.s32 $0x2D, v7  }
0x4b: {  	[tilespmem:s26+$0x3880] =	vst v4;
	v11 =	vld.idx.msk [tilespmem:v11+s4+$0x0], $0xffff  }
0x4c: {  	v4 =	vld.idx.msk [tilespmem:v6+s4+$0x0], $0xffff;
	v6 =	vadd.s32 $0xA, v1  }
0x4d: {  	[tilespmem:s24+$0x2880] =	vst v8;
	v8 =	vadd.s32 $0x23, v2  }
0x4e: {  	v9 =	vld.idx.msk [tilespmem:v9+s4+$0x0], $0xffff;
	[tilespmem:s30+$0x5080] =	vst v5  }
0x4f: {  	v5 =	vld.idx.msk [tilespmem:v10+s4+$0x0], $0xffff;
	v10 =	vadd.s32 $0x19, v0  }
0x50: {  	[tilespmem:s25+$0x1880] =	vst v11  }
0x51: {  	s2 =	simm.s32 $0x280;
	s5 =	simm.s32 $0x28;
	v11 =	vadd.s32 $0x32, v7;
	v6 =	vld.idx.msk [tilespmem:v6+s4+$0x0], $0xffff;
	[tilespmem:s26+$0x4080] =	vst v4  }
0x52: {  	s6 =	simm.s32 $0x50;
	s0 =	sand.u32 $0x400, s2;
	s2 =	sand.u32 $0x380, s5;
	v12 =	vadd.s32 $0xF, v1;
	v8 =	vld.idx.msk [tilespmem:v8+s4+$0x0], $0xffff  }
0x53: {  	s5 =	sand.u32 $0x70, s6;
	s0 =	sor.u32 s2, s0;
	v13 =	vld.idx.msk [tilespmem:v3+s4+$0x0], $0xffff;
	[tilespmem:s24+$0x3080] =	vst v9;
	v9 =	vadd.s32 $0x28, v2  }
0x54: {  	s29 =	sor.u32 s5, s0;
	v10 =	vld.idx.msk [tilespmem:v10+s4+$0x0], $0xffff  }
0x55: {  	v4 =	vld [tilespmem:s29+$0x80];
	[tilespmem:s30+$0x5880] =	vst v5;
	v5 =	vadd.s32 $0x5, v3  }
0x56: {  	v14 =	vadd.s32 $0x1E, v0;
	[tilespmem:s25+$0x2080] =	vst v6;
	v11 =	vld.idx.msk [tilespmem:v11+s4+$0x0], $0xffff  }
0x57: {  	v6 =	vadd.s32 $0x37, v7;
	v12 =	vld.idx.msk [tilespmem:v12+s4+$0x0], $0xffff;
	[tilespmem:s26+$0x4880] =	vst v8  }
0x58: {  	[tilespmem:s28+$0x1080] =	vst v13;
	v8 =	vld.idx.msk [tilespmem:v9+s4+$0x0], $0xffff;
	v9 =	vadd.s32 $0x14, v1  }
0x59: {  	[tilespmem:s24+$0x3880] =	vst v10;
	v10 =	vadd.s32 $0x2D, v2  }
0x5a: {  	v13 =	vld.idx.msk [tilespmem:v5+s4+$0x0], $0xffff  }
0x5b: {  	v14 =	vld.idx.msk [tilespmem:v14+s4+$0x0], $0xffff;
	[tilespmem:s30+$0x6080] =	vst v11;
	v11 =	vadd.s32 $0xA, v3  }
0x5c: {  	v15 =	vadd.s32 $0x23, v0;
	[tilespmem:s25+$0x2880] =	vst v12;
	v6 =	vld.idx.msk [tilespmem:v6+s4+$0x0], $0xffff  }
0x5d: {  	v12 =	vadd.s32 $0x3C, v7;
	v9 =	vld.idx.msk [tilespmem:v9+s4+$0x0], $0xffff;
	[tilespmem:s26+$0x5080] =	vst v8  }
0x5e: {  	v8 =	vld.idx.msk [tilespmem:v10+s4+$0x0], $0xffff;
	v10 =	vadd.s32 $0x19, v1  }
0x5f: {  	v16 =	vld.idx.msk [tilespmem:v4+s4+$0x0], $0xffff;
	[tilespmem:s28+$0x1880] =	vst v13;
	v13 =	vadd.s32 $0x32, v2  }
0x60: {  	v11 =	vld.idx.msk [tilespmem:v11+s4+$0x0], $0xffff;
	[tilespmem:s24+$0x4080] =	vst v14  }
0x61: {  	s9 =	simm.s32 $0x30;
	s7 =	simm.s32 $0x300;
	v14 =	vld.idx.msk [tilespmem:v15+s4+$0x0], $0xffff;
	[tilespmem:s30+$0x6880] =	vst v6;
	v6 =	vadd.s32 $0xF, v3  }
0x62: {  	s10 =	simm.s32 $0x60;
	s2 =	sand.u32 $0x380, s9;
	s0 =	sand.u32 $0x400, s7;
	v15 =	vadd.s32 $0x28, v0;
	v12 =	vld.idx.msk [tilespmem:v12+s4+$0x0], $0xffff;
	[tilespmem:s25+$0x3080] =	vst v9  }
0x63: {  	s5 =	sand.u32 $0x70, s10;
	s0 =	sor.u32 s2, s0;
	v9 =	vadd.s32 $0x41, v7;
	v10 =	vld.idx.msk [tilespmem:v10+s4+$0x0], $0xffff;
	[tilespmem:s26+$0x5880] =	vst v8  }
0x64: {  	s0 =	sor.u32 s5, s0;
	[tilespmem:s29+$0x1080] =	vst v16;
	v8 =	vadd.s32 $0x5, v4;
	v13 =	vld.idx.msk [tilespmem:v13+s4+$0x0], $0xffff  }
0x65: {  	v5 =	vld [tilespmem:s0+$0x80];
	[tilespmem:s28+$0x2080] =	vst v11;
	v11 =	vadd.s32 $0x1E, v1  }
0x66: {  	v17 =	vld.idx.msk [tilespmem:v6+s4+$0x0], $0xffff;
	[tilespmem:s24+$0x4880] =	vst v14;
	v6 =	vadd.s32 $0x37, v2  }
0x67: {  	v14 =	vld.idx.msk [tilespmem:v15+s4+$0x0], $0xffff;
	[tilespmem:s30+$0x7080] =	vst v12;
	v12 =	vadd.s32 $0x14, v3  }
0x68: {  	v9 =	vld.idx.msk [tilespmem:v9+s4+$0x0], $0xffff;
	[tilespmem:s25+$0x3880] =	vst v10;
	v10 =	vadd.s32 $0x2D, v0  }
0x69: {  	v8 =	vld.idx.msk [tilespmem:v8+s4+$0x0], $0xffff;
	[tilespmem:s26+$0x6080] =	vst v13;
	v13 =	vadd.s32 $0x46, v7  }
0x6a: {  	v15 =	vadd.s32 $0xA, v4;
	v11 =	vld.idx.msk [tilespmem:v11+s4+$0x0], $0xffff  }
0x6b: {  	v16 =	vld.idx.msk [tilespmem:v6+s4+$0x0], $0xffff;
	[tilespmem:s28+$0x2880] =	vst v17;
	v17 =	vadd.s32 $0x23, v1  }
0x6c: {  	v12 =	vld.idx.msk [tilespmem:v12+s4+$0x0], $0xffff;
	[tilespmem:s24+$0x5080] =	vst v14;
	v14 =	vadd.s32 $0x3C, v2  }
0x6d: {  	[tilespmem:s30+$0x7880] =	vst v9;
	v10 =	vld.idx.msk [tilespmem:v10+s4+$0x0], $0xffff  }
0x6e: {  	s12 =	simm.s32 $0x38;
	s11 =	simm.s32 $0x380;
	[tilespmem:s29+$0x1880] =	vst v8;
	v9 =	vld.idx.msk [tilespmem:v13+s4+$0x0], $0xffff  }
0x6f: {  	s23 =	simm.s32 $0x70;
	s2 =	sand.u32 $0x400, s11;
	s5 =	sand.u32 $0x380, s12;
	v8 =	vadd.s32 $0x19, v3;
	v13 =	vld.idx.msk [tilespmem:v15+s4+$0x0], $0xffff;
	[tilespmem:s25+$0x4080] =	vst v11  }
0x70: {  	s7 =	sand.u32 $0x70, s23;
	s2 =	sor.u32 s5, s2;
	v11 =	vadd.s32 $0x32, v0;
	v17 =	vld.idx.msk [tilespmem:v17+s4+$0x0], $0xffff;
	[tilespmem:s26+$0x6880] =	vst v16  }
0x71: {  	s2 =	sor.u32 s7, s2;
	v7 =	vadd.s32 $0x4B, v7;
	v14 =	vld.idx.msk [tilespmem:v14+s4+$0x0], $0xffff;
	[tilespmem:s28+$0x3080] =	vst v12  }
0x72: {  	v6 =	vld [tilespmem:s2+$0x80];
	v15 =	vadd.s32 $0xF, v4;
	[tilespmem:s24+$0x5880] =	vst v10  }
0x73: {  	v18 =	vadd.s32 $0x28, v1;
	v16 =	vld.idx.msk [tilespmem:v5+s4+$0x0], $0xffff;
	[tilespmem:s30+$0x8080] =	vst v9  }
0x74: {  	v12 =	vld.idx.msk [tilespmem:v8+s4+$0x0], $0xffff;
	v8 =	vadd.s32 $0x41, v2;
	[tilespmem:s29+$0x2080] =	vst v13  }
0x75: {  	v11 =	vld.idx.msk [tilespmem:v11+s4+$0x0], $0xffff;
	[tilespmem:s25+$0x4880] =	vst v17;
	v17 =	vadd.s32 $0x5, v5  }
0x76: {  	v10 =	vld.idx.msk [tilespmem:v7+s4+$0x0], $0xffff;
	[tilespmem:s26+$0x7080] =	vst v14;
	v14 =	vadd.s32 $0x1E, v3  }
0x77: {  	v9 =	vadd.s32 $0x37, v0;
	v15 =	vld.idx.msk [tilespmem:v15+s4+$0x0], $0xffff  }
0x78: {  	s31 =	simm.s32 $0x400;
	s23 =	sshll.u32 s22, $0x1;
	v7 =	vld.idx.msk [tilespmem:v18+s4+$0x0], $0xffff  }
0x79: {  	s11 =	sshrl.u32 s22, $0x2;
	s12 =	simm.s32 $0x80;
	s5 =	simm.s32 $0x40;
	v13 =	vmov v6;
	[tilespmem:s0+$0x1080] =	vst v16;
	v16 =	vadd.s32 $0x14, v4;
	v8 =	vld.idx.msk [tilespmem:v8+s4+$0x0], $0xffff  }
.LBB2_3:
0x7a: {  	s7 =	sand.u32 $0x400, s31;
	s9 =	sand.u32 $0x380, s5;
	p0 =	sne.s32 s5, $0x3F8;
	v17 =	vld.idx.msk [tilespmem:v17+s4+$0x0], $0xffff;
	[tilespmem:s28+$0x3880] =	vst v12;
	v12 =	vadd.s32 $0x2D, v1  }
0x7b: {  	s6 =	sand.u32 $0x70, s12;
	s7 =	sor.u32 s9, s7;
	v14 =	vld.idx.msk [tilespmem:v14+s4+$0x0], $0xffff;
	[tilespmem:s24+$0x6080] =	vst v11;
	v11 =	vadd.s32 $0x46, v2  }
0x7c: {  	v18 =	vadd.s32 $0xA, v5;
	s6 =	sor.u32 s6, s7;
	v9 =	vld.idx.msk [tilespmem:v9+s4+$0x0], $0xffff;
	[tilespmem:s30+$0x8880] =	vst v10;
	s30 =	smov.u32 s26;
	s26 =	smov.u32 s24  }
0x7d: {  	s24 =	smov.u32 s25;
	s25 =	smov.u32 s28;
	s28 =	smov.u32 s29;
	v10 =	vld [tilespmem:s6+$0x80];
	[tilespmem:s29+$0x2880] =	vst v15;
	v15 =	vadd.s32 $0x23, v3  }
0x7e: {  	s29 =	smov.u32 s0;
	s0 =	smov.u32 s2;
	s2 =	smov.u32 s6;
	v16 =	vld.idx.msk [tilespmem:v16+s4+$0x0], $0xffff;
	[tilespmem:s24+$0x5080] =	vst v7;
	v7 =	vadd.s32 $0x3C, v0  }
0x7f: {  	v19 =	vld.idx.msk [tilespmem:v12+s4+$0x0], $0xffff;
	[tilespmem:s30+$0x7880] =	vst v8  }
0x80: {  	v8 =	vadd.s32 $0x19, v4;
	[tilespmem:s29+$0x1880] =	vst v17;
	v20 =	vld.idx.msk [tilespmem:v11+s4+$0x0], $0xffff  }
0x81: {  	v11 =	vadd.s32 $0x32, v1;
	v18 =	vld.idx.msk [tilespmem:v18+s4+$0x0], $0xffff;
	[tilespmem:s25+$0x4080] =	vst v14  }
0x82: {  	v21 =	vld.idx.msk [tilespmem:v15+s4+$0x0], $0xffff;
	[tilespmem:s26+$0x6880] =	vst v9;
	v9 =	vadd.s32 $0x4B, v2;
	v2 =	vmovc v0;
	v0 =	vmovc v1;
	v1 =	vmov v3;
	v3 =	vmov v4  }
0x83: {  	v15 =	vadd.s32 $0xF, v5;
	v4 =	vmovc v5;
	v5 =	vmov v6;
	v6 =	vmov v10;
	v22 =	vld.idx.msk [tilespmem:v7+s4+$0x0], $0xffff  }
0x84: {  	v7 =	vadd.s32 $0x28, v1;
	v23 =	vld.idx.msk [tilespmem:v13+s4+$0x0], $0xffff;
	[tilespmem:s28+$0x3080] =	vst v16;
	v13 =	vmov v10  }
0x85: {  	v12 =	vld.idx.msk [tilespmem:v8+s4+$0x0], $0xffff;
	[tilespmem:s24+$0x5880] =	vst v19;
	v8 =	vadd.s32 $0x41, v2  }
.Ltmp0:
0x86: {  	v17 =	vadd.s32 $0x5, v5;
	v11 =	vld.idx.msk [tilespmem:v11+s4+$0x0], $0xffff;
	[tilespmem:s30+$0x8080] =	vst v20;
	(pc) =	sbr.rel @p0 .LBB2_3-.Ltmp0, $4  }
0x87: {  	v14 =	vadd.s32 $0x1E, v3;
	[tilespmem:s29+$0x2080] =	vst v18;
	v10 =	vld.idx.msk [tilespmem:v9+s4+$0x0], $0xffff  }
0x88: {  	v9 =	vadd.s32 $0x37, v0;
	v15 =	vld.idx.msk [tilespmem:v15+s4+$0x0], $0xffff;
	[tilespmem:s25+$0x4880] =	vst v21  }
0x89: {  	v7 =	vld.idx.msk [tilespmem:v7+s4+$0x0], $0xffff;
	[tilespmem:s26+$0x7080] =	vst v22  }
0x8a: {  	s31 =	sadd.s32 $0x80, s31;
	s12 =	sadd.s32 $0x10, s12;
	s5 =	sadd.s32 $0x8, s5;
	v16 =	vadd.s32 $0x14, v4;
	[tilespmem:s0+$0x1080] =	vst v23;
	v8 =	vld.idx.msk [tilespmem:v8+s4+$0x0], $0xffff  }
0x8b: {  	_ =	sdelay $0x3  }
0x8c: {  	v13 =	vld.idx.msk [tilespmem:v13+s4+$0x0], $0xffff  }
0x8d: {  	v18 =	vadd.s32 $0x5, v6;
	_ =	sdelay $0x3  }
0x8e: {  	v17 =	vld.idx.msk [tilespmem:v17+s4+$0x0], $0xffff;
	[tilespmem:s2+$0x1080] =	vst v13  }
0x8f: {  	v13 =	vadd.s32 $0xA, v5;
	v18 =	vld.idx.msk [tilespmem:v18+s4+$0x0], $0xffff  }
0x90: {  	v19 =	vadd.s32 $0xA, v6;
	_ =	sdelay $0x2  }
0x91: {  	[tilespmem:s0+$0x1880] =	vst v17  }
0x92: {  	v13 =	vld.idx.msk [tilespmem:v13+s4+$0x0], $0xffff;
	[tilespmem:s2+$0x1880] =	vst v18  }
0x93: {  	v17 =	vadd.s32 $0xF, v5;
	v18 =	vld.idx.msk [tilespmem:v19+s4+$0x0], $0xffff  }
0x94: {  	v19 =	vadd.s32 $0xF, v6;
	_ =	sdelay $0x2  }
0x95: {  	[tilespmem:s0+$0x2080] =	vst v13  }
0x96: {  	v13 =	vld.idx.msk [tilespmem:v17+s4+$0x0], $0xffff;
	[tilespmem:s2+$0x2080] =	vst v18  }
0x97: {  	v17 =	vadd.s32 $0x14, v5;
	v18 =	vld.idx.msk [tilespmem:v19+s4+$0x0], $0xffff  }
0x98: {  	v19 =	vadd.s32 $0x14, v6;
	_ =	sdelay $0x1  }
0x99: {  	[tilespmem:s29+$0x2880] =	vst v15  }
0x9a: {  	v15 =	vld.idx.msk [tilespmem:v16+s4+$0x0], $0xffff;
	[tilespmem:s0+$0x2880] =	vst v13  }
0x9b: {  	v13 =	vadd.s32 $0x19, v4;
	v16 =	vld.idx.msk [tilespmem:v17+s4+$0x0], $0xffff;
	[tilespmem:s2+$0x2880] =	vst v18  }
0x9c: {  	v17 =	vadd.s32 $0x19, v5;
	v18 =	vld.idx.msk [tilespmem:v19+s4+$0x0], $0xffff  }
0x9d: {  	v19 =	vadd.s32 $0x19, v6;
	_ =	sdelay $0x1  }
0x9e: {  	[tilespmem:s29+$0x3080] =	vst v15  }
0x9f: {  	v13 =	vld.idx.msk [tilespmem:v13+s4+$0x0], $0xffff;
	[tilespmem:s0+$0x3080] =	vst v16  }
0xa0: {  	v15 =	vadd.s32 $0x1E, v4;
	v16 =	vld.idx.msk [tilespmem:v17+s4+$0x0], $0xffff;
	[tilespmem:s2+$0x3080] =	vst v18  }
0xa1: {  	v17 =	vadd.s32 $0x1E, v5;
	v18 =	vld.idx.msk [tilespmem:v19+s4+$0x0], $0xffff  }
0xa2: {  	v19 =	vadd.s32 $0x1E, v6  }
0xa3: {  	[tilespmem:s28+$0x3880] =	vst v12  }
0xa4: {  	v12 =	vld.idx.msk [tilespmem:v14+s4+$0x0], $0xffff;
	[tilespmem:s29+$0x3880] =	vst v13  }
0xa5: {  	v13 =	vadd.s32 $0x23, v3;
	v14 =	vld.idx.msk [tilespmem:v15+s4+$0x0], $0xffff;
	[tilespmem:s0+$0x3880] =	vst v16  }
0xa6: {  	v15 =	vadd.s32 $0x23, v4;
	v16 =	vld.idx.msk [tilespmem:v17+s4+$0x0], $0xffff;
	[tilespmem:s2+$0x3880] =	vst v18  }
0xa7: {  	v17 =	vadd.s32 $0x23, v5;
	v18 =	vld.idx.msk [tilespmem:v19+s4+$0x0], $0xffff  }
0xa8: {  	v19 =	vadd.s32 $0x23, v6  }
0xa9: {  	[tilespmem:s28+$0x4080] =	vst v12  }
0xaa: {  	v12 =	vld.idx.msk [tilespmem:v13+s4+$0x0], $0xffff;
	[tilespmem:s29+$0x4080] =	vst v14  }
0xab: {  	v13 =	vadd.s32 $0x28, v3;
	v14 =	vld.idx.msk [tilespmem:v15+s4+$0x0], $0xffff;
	[tilespmem:s0+$0x4080] =	vst v16  }
0xac: {  	v15 =	vadd.s32 $0x28, v4;
	v16 =	vld.idx.msk [tilespmem:v17+s4+$0x0], $0xffff;
	[tilespmem:s2+$0x4080] =	vst v18  }
0xad: {  	[tilespmem:s24+$0x6080] =	vst v11;
	v11 =	vadd.s32 $0x28, v5;
	v17 =	vld.idx.msk [tilespmem:v19+s4+$0x0], $0xffff  }
0xae: {  	[tilespmem:s30+$0x8880] =	vst v10;
	v10 =	vadd.s32 $0x28, v6  }
0xaf: {  	[tilespmem:s28+$0x4880] =	vst v12  }
0xb0: {  	v12 =	vadd.s32 $0x2D, v1;
	v13 =	vld.idx.msk [tilespmem:v13+s4+$0x0], $0xffff;
	[tilespmem:s29+$0x4880] =	vst v14  }
0xb1: {  	v14 =	vadd.s32 $0x2D, v3;
	v15 =	vld.idx.msk [tilespmem:v15+s4+$0x0], $0xffff;
	[tilespmem:s0+$0x4880] =	vst v16  }
0xb2: {  	v16 =	vadd.s32 $0x2D, v4;
	v11 =	vld.idx.msk [tilespmem:v11+s4+$0x0], $0xffff;
	[tilespmem:s2+$0x4880] =	vst v17  }
0xb3: {  	[tilespmem:s25+$0x5080] =	vst v7;
	v7 =	vadd.s32 $0x2D, v5;
	v10 =	vld.idx.msk [tilespmem:v10+s4+$0x0], $0xffff  }
0xb4: {  	v9 =	vld.idx.msk [tilespmem:v9+s4+$0x0], $0xffff;
	[tilespmem:s26+$0x7880] =	vst v8;
	v8 =	vadd.s32 $0x2D, v6  }
0xb5: {  	v12 =	vld.idx.msk [tilespmem:v12+s4+$0x0], $0xffff;
	v17 =	vadd.s32 $0x46, v2;
	[tilespmem:s28+$0x5080] =	vst v13  }
0xb6: {  	v13 =	vadd.s32 $0x32, v1;
	v14 =	vld.idx.msk [tilespmem:v14+s4+$0x0], $0xffff;
	[tilespmem:s29+$0x5080] =	vst v15  }
0xb7: {  	v15 =	vadd.s32 $0x32, v3;
	v16 =	vld.idx.msk [tilespmem:v16+s4+$0x0], $0xffff;
	[tilespmem:s0+$0x5080] =	vst v11  }
0xb8: {  	v11 =	vadd.s32 $0x32, v4;
	v7 =	vld.idx.msk [tilespmem:v7+s4+$0x0], $0xffff;
	[tilespmem:s2+$0x5080] =	vst v10  }
0xb9: {  	[tilespmem:s24+$0x6880] =	vst v9;
	v9 =	vadd.s32 $0x32, v5;
	v8 =	vld.idx.msk [tilespmem:v8+s4+$0x0], $0xffff  }
0xba: {  	[tilespmem:s25+$0x5880] =	vst v12;
	v12 =	vadd.s32 $0x32, v6;
	v10 =	vld.idx.msk [tilespmem:v17+s4+$0x0], $0xffff  }
0xbb: {  	v13 =	vld.idx.msk [tilespmem:v13+s4+$0x0], $0xffff;
	v17 =	vadd.s32 $0x3C, v0;
	[tilespmem:s28+$0x5880] =	vst v14  }
0xbc: {  	v14 =	vadd.s32 $0x37, v1;
	v15 =	vld.idx.msk [tilespmem:v15+s4+$0x0], $0xffff;
	[tilespmem:s29+$0x5880] =	vst v16  }
0xbd: {  	v16 =	vadd.s32 $0x37, v3;
	v11 =	vld.idx.msk [tilespmem:v11+s4+$0x0], $0xffff;
	[tilespmem:s0+$0x5880] =	vst v7  }
0xbe: {  	v7 =	vadd.s32 $0x37, v4;
	v9 =	vld.idx.msk [tilespmem:v9+s4+$0x0], $0xffff;
	[tilespmem:s2+$0x5880] =	vst v8  }
0xbf: {  	[tilespmem:s26+$0x8080] =	vst v10;
	v8 =	vadd.s32 $0x37, v5;
	v10 =	vld.idx.msk [tilespmem:v12+s4+$0x0], $0xffff  }
0xc0: {  	[tilespmem:s25+$0x6080] =	vst v13;
	v13 =	vadd.s32 $0x37, v6;
	v12 =	vld.idx.msk [tilespmem:v17+s4+$0x0], $0xffff  }
0xc1: {  	v2 =	vadd.s32 $0x4B, v2;
	v14 =	vld.idx.msk [tilespmem:v14+s4+$0x0], $0xffff;
	[tilespmem:s28+$0x6080] =	vst v15  }
0xc2: {  	v15 =	vadd.s32 $0x3C, v1;
	v16 =	vld.idx.msk [tilespmem:v16+s4+$0x0], $0xffff;
	[tilespmem:s29+$0x6080] =	vst v11  }
0xc3: {  	v11 =	vadd.s32 $0x3C, v3;
	v7 =	vld.idx.msk [tilespmem:v7+s4+$0x0], $0xffff;
	[tilespmem:s0+$0x6080] =	vst v9  }
0xc4: {  	v9 =	vadd.s32 $0x3C, v4;
	v8 =	vld.idx.msk [tilespmem:v8+s4+$0x0], $0xffff;
	[tilespmem:s2+$0x6080] =	vst v10  }
0xc5: {  	[tilespmem:s24+$0x7080] =	vst v12;
	v10 =	vadd.s32 $0x3C, v5;
	v12 =	vld.idx.msk [tilespmem:v13+s4+$0x0], $0xffff  }
0xc6: {  	v2 =	vld.idx.msk [tilespmem:v2+s4+$0x0], $0xffff;
	[tilespmem:s25+$0x6880] =	vst v14;
	v13 =	vadd.s32 $0x3C, v6  }
0xc7: {  	v14 =	vadd.s32 $0x41, v0;
	v15 =	vld.idx.msk [tilespmem:v15+s4+$0x0], $0xffff;
	[tilespmem:s28+$0x6880] =	vst v16  }
0xc8: {  	v16 =	vadd.s32 $0x41, v1;
	v11 =	vld.idx.msk [tilespmem:v11+s4+$0x0], $0xffff;
	[tilespmem:s29+$0x6880] =	vst v7  }
0xc9: {  	v7 =	vadd.s32 $0x41, v3;
	v9 =	vld.idx.msk [tilespmem:v9+s4+$0x0], $0xffff;
	[tilespmem:s0+$0x6880] =	vst v8  }
0xca: {  	v8 =	vadd.s32 $0x41, v4;
	v10 =	vld.idx.msk [tilespmem:v10+s4+$0x0], $0xffff;
	[tilespmem:s2+$0x6880] =	vst v12  }
0xcb: {  	[tilespmem:s26+$0x8880] =	vst v2;
	v2 =	vadd.s32 $0x41, v5;
	v12 =	vld.idx.msk [tilespmem:v13+s4+$0x0], $0xffff  }
0xcc: {  	[tilespmem:s25+$0x7080] =	vst v15;
	v13 =	vld.idx.msk [tilespmem:v14+s4+$0x0], $0xffff;
	v14 =	vadd.s32 $0x41, v6  }
0xcd: {  	v15 =	vadd.s32 $0x46, v0;
	v16 =	vld.idx.msk [tilespmem:v16+s4+$0x0], $0xffff;
	[tilespmem:s28+$0x7080] =	vst v11  }
0xce: {  	v11 =	vadd.s32 $0x46, v1;
	v7 =	vld.idx.msk [tilespmem:v7+s4+$0x0], $0xffff;
	[tilespmem:s29+$0x7080] =	vst v9  }
0xcf: {  	v9 =	vadd.s32 $0x46, v3;
	v8 =	vld.idx.msk [tilespmem:v8+s4+$0x0], $0xffff;
	[tilespmem:s0+$0x7080] =	vst v10  }
0xd0: {  	v10 =	vadd.s32 $0x46, v4;
	v2 =	vld.idx.msk [tilespmem:v2+s4+$0x0], $0xffff;
	[tilespmem:s2+$0x7080] =	vst v12  }
0xd1: {  	[tilespmem:s24+$0x7880] =	vst v13;
	v12 =	vadd.s32 $0x46, v5;
	v13 =	vld.idx.msk [tilespmem:v14+s4+$0x0], $0xffff  }
0xd2: {  	[tilespmem:s25+$0x7880] =	vst v16;
	v14 =	vld.idx.msk [tilespmem:v15+s4+$0x0], $0xffff;
	v15 =	vadd.s32 $0x46, v6  }
0xd3: {  	v0 =	vadd.s32 $0x4B, v0;
	v11 =	vld.idx.msk [tilespmem:v11+s4+$0x0], $0xffff;
	[tilespmem:s28+$0x7880] =	vst v7  }
0xd4: {  	v1 =	vadd.s32 $0x4B, v1;
	v7 =	vld.idx.msk [tilespmem:v9+s4+$0x0], $0xffff;
	[tilespmem:s29+$0x7880] =	vst v8  }
0xd5: {  	v3 =	vadd.s32 $0x4B, v3;
	v8 =	vld.idx.msk [tilespmem:v10+s4+$0x0], $0xffff;
	[tilespmem:s0+$0x7880] =	vst v2  }
0xd6: {  	v2 =	vadd.s32 $0x4B, v4;
	v4 =	vld.idx.msk [tilespmem:v12+s4+$0x0], $0xffff;
	[tilespmem:s2+$0x7880] =	vst v13  }
0xd7: {  	v5 =	vadd.s32 $0x4B, v5;
	[tilespmem:s24+$0x8080] =	vst v14;
	v9 =	vld.idx.msk [tilespmem:v15+s4+$0x0], $0xffff  }
0xd8: {  	v6 =	vadd.s32 $0x4B, v6;
	[tilespmem:s25+$0x8080] =	vst v11;
	v0 =	vld.idx.msk [tilespmem:v0+s4+$0x0], $0xffff  }
0xd9: {  	v1 =	vld.idx.msk [tilespmem:v1+s4+$0x0], $0xffff;
	[tilespmem:s28+$0x8080] =	vst v7  }
0xda: {  	v3 =	vld.idx.msk [tilespmem:v3+s4+$0x0], $0xffff;
	[tilespmem:s29+$0x8080] =	vst v8  }
0xdb: {  	v2 =	vld.idx.msk [tilespmem:v2+s4+$0x0], $0xffff;
	[tilespmem:s0+$0x8080] =	vst v4  }
0xdc: {  	v4 =	vld.idx.msk [tilespmem:v5+s4+$0x0], $0xffff;
	[tilespmem:s2+$0x8080] =	vst v9  }
0xdd: {  	p0 =	seq.s32 s22, $0x1F;
	[tilespmem:s24+$0x8880] =	vst v0;
	v0 =	vld.idx.msk [tilespmem:v6+s4+$0x0], $0xffff  }
0xde: {  	s5 =	sadd.s32 @!p0 $0x2, s23;
	[tilespmem:s25+$0x8880] =	vst v1  }
0xdf: {  	s6 =	sshrl.u32 @!p0 s5, $0x3;
	s5 =	sshll.u32 @!p0 s5, $0x8;
	[tilespmem:s28+$0x8880] =	vst v3  }
0xe0: {  	s6 =	sadd.s32 @!p0 s8, s6;
	s5 =	sand.u32 @!p0 $0x600, s5;
	[tilespmem:s29+$0x8880] =	vst v2  }
0xe1: {  	s5 =	sadd.s32 @!p0 s1, s5;
	[tilespmem:s0+$0x8880] =	vst v4;
	s0 =	sshll.u32 @!p0 s6, $0xB  }
0xe2: {  	s0 =	sadd.s32 @!p0 s0, s5;
	s5 =	simm.s32 @!p0 $0x80;
	[tilespmem:s2+$0x8880] =	vst v0;
	s2 =	simm.s32 @!p0 $0x0  }
0xe3: {  	[tilespmem:s5], [sflag:$0x1] =	stream.linear.gather @!p0 [hbm4b:s0+s2], $0x800, $0x38;
	[tilespmem:$0x11080] =	vst v63  }
0xe4: {  	s5 =	sshll.u32 s22, $0x9  }
0xe5: {  	s6 =	sor.u32 s8, s11;
	s25 =	sand.u32 $0x600, s5  }
0xe6: {  	s24 =	sshll.u32 s6, $0xB;
	s0 =	sadd.s32 s3, s25  }
0xe7: {  	s0 =	sadd.s32 s24, s0  }
0xe8: {  	[hbm4b:s0+s14] =	stream.strided.scatter [tilespmem:s16], [sflag:$0x3], $0x8000, s15, s14, $0x38;
	[tilespmem:$0x11080] =	vst v63  }
0xe9: {  	_ =	swait.ge [sflag:s17], $0x800  }
0xea: {  	[sflag:s17] =	ssyncset.done $0x0  }
0xeb: {  	s7 =	simm.s32 $0x0;
	s0 =	simm.s32 @!p1 $0x4;
	[sflag:s17] =	ssyncadd.s32 $0xFFFFF800  }
0xec: {  	s9 =	sand.u32 $0x400, s7;
	s10 =	sand.u32 $0x380, s7;
	_ =	swait.ge @!p1 [sflag:s0], $0x8000  }
0xed: {  	s2 =	sand.u32 $0x70, s7;
	s5 =	sor.u32 s10, s9;
	[sflag:s0] =	ssyncset.done @!p1 $0x0  }
0xee: {  	[sflag:s0] =	ssyncadd.s32 @!p1 $0xFFFF8000;
	s0 =	sor.u32 s2, s5  }
0xef: {  	v7 =	vld [tilespmem:s0+$0x880];
	_ =	sdelay $0x7  }
0xf0: {  	v0 =	vld.idx.msk [tilespmem:v7+s4+$0x0], $0xffff  }
0xf1: {  	s12 =	simm.s32 $0x8;
	s11 =	simm.s32 $0x80;
	v1 =	vadd.s32 $0x5, v7  }
0xf2: {  	s26 =	simm.s32 $0x10;
	s2 =	sand.u32 $0x400, s11;
	s5 =	sand.u32 $0x380, s12  }
0xf3: {  	s6 =	sand.u32 $0x70, s26;
	s2 =	sor.u32 s5, s2  }
0xf4: {  	s29 =	sor.u32 s6, s2  }
0xf5: {  	v2 =	vld [tilespmem:s29+$0x880];
	[tilespmem:s0+$0x9080] =	vst v0  }
0xf6: {  	v0 =	vld.idx.msk [tilespmem:v1+s4+$0x0], $0xffff  }
0xf7: {  	v1 =	vadd.s32 $0xA, v7;
	_ =	sdelay $0x3  }
0xf8: {  	[tilespmem:s0+$0x9880] =	vst v0  }
0xf9: {  	v0 =	vld.idx.msk [tilespmem:v1+s4+$0x0], $0xffff  }
0xfa: {  	v1 =	vadd.s32 $0xF, v7  }
0xfb: {  	v3 =	vld.idx.msk [tilespmem:v2+s4+$0x0], $0xffff  }
0xfc: {  	v4 =	vadd.s32 $0x5, v2;
	_ =	sdelay $0x1  }
0xfd: {  	s7 =	simm.s32 $0x10;
	s6 =	simm.s32 $0x100;
	[tilespmem:s0+$0xA080] =	vst v0  }
0xfe: {  	s9 =	simm.s32 $0x20;
	s5 =	sand.u32 $0x380, s7;
	s2 =	sand.u32 $0x400, s6;
	v1 =	vld.idx.msk [tilespmem:v1+s4+$0x0], $0xffff  }
0xff: {  	s6 =	sand.u32 $0x70, s9;
	s2 =	sor.u32 s5, s2;
	v5 =	vadd.s32 $0x14, v7;
	[tilespmem:s29+$0x9080] =	vst v3  }
0x100: {  	s26 =	sor.u32 s6, s2;
	v3 =	vld.idx.msk [tilespmem:v4+s4+$0x0], $0xffff  }
0x101: {  	v0 =	vld [tilespmem:s26+$0x880]  }
0x102: {  	v4 =	vadd.s32 $0xA, v2  }
0x103: {  	[tilespmem:s0+$0xA880] =	vst v1  }
0x104: {  	v1 =	vld.idx.msk [tilespmem:v5+s4+$0x0], $0xffff  }
0x105: {  	v5 =	vadd.s32 $0x19, v7  }
0x106: {  	[tilespmem:s29+$0x9880] =	vst v3  }
0x107: {  	v3 =	vld.idx.msk [tilespmem:v4+s4+$0x0], $0xffff  }
0x108: {  	v4 =	vadd.s32 $0xF, v2  }
0x109: {  	v6 =	vld.idx.msk [tilespmem:v0+s4+$0x0], $0xffff;
	[tilespmem:s0+$0xB080] =	vst v1  }
0x10a: {  	s10 =	simm.s32 $0x180;
	s11 =	simm.s32 $0x18;
	v8 =	vadd.s32 $0x5, v0;
	v5 =	vld.idx.msk [tilespmem:v5+s4+$0x0], $0xffff  }
0x10b: {  	s12 =	simm.s32 $0x30;
	s5 =	sand.u32 $0x380, s11;
	s2 =	sand.u32 $0x400, s10;
	v9 =	vadd.s32 $0x1E, v7  }
0x10c: {  	s6 =	sand.u32 $0x70, s12;
	s2 =	sor.u32 s5, s2;
	[tilespmem:s29+$0xA080] =	vst v3  }
0x10d: {  	s28 =	sor.u32 s6, s2;
	v3 =	vld.idx.msk [tilespmem:v4+s4+$0x0], $0xffff  }
0x10e: {  	v4 =	vadd.s32 $0x14, v2;
	v1 =	vld [tilespmem:s28+$0x880];
	[tilespmem:s26+$0x9080] =	vst v6  }
0x10f: {  	v6 =	vld.idx.msk [tilespmem:v8+s4+$0x0], $0xffff;
	[tilespmem:s0+$0xB880] =	vst v5  }
0x110: {  	v8 =	vadd.s32 $0xA, v0;
	v5 =	vld.idx.msk [tilespmem:v9+s4+$0x0], $0xffff  }
0x111: {  	v9 =	vadd.s32 $0x23, v7  }
0x112: {  	[tilespmem:s29+$0xA880] =	vst v3  }
0x113: {  	v3 =	vld.idx.msk [tilespmem:v4+s4+$0x0], $0xffff  }
0x114: {  	v4 =	vadd.s32 $0x19, v2;
	[tilespmem:s26+$0x9880] =	vst v6  }
0x115: {  	v6 =	vld.idx.msk [tilespmem:v8+s4+$0x0], $0xffff;
	[tilespmem:s0+$0xC080] =	vst v5  }
0x116: {  	v8 =	vadd.s32 $0xF, v0;
	v5 =	vld.idx.msk [tilespmem:v9+s4+$0x0], $0xffff  }
0x117: {  	v9 =	vadd.s32 $0x28, v7  }
0x118: {  	[tilespmem:s29+$0xB080] =	vst v3;
	v10 =	vld.idx.msk [tilespmem:v1+s4+$0x0], $0xffff  }
0x119: {  	s7 =	simm.s32 $0x20;
	s6 =	simm.s32 $0x200;
	v4 =	vld.idx.msk [tilespmem:v4+s4+$0x0], $0xffff;
	v11 =	vadd.s32 $0x5, v1  }
0x11a: {  	s9 =	simm.s32 $0x40;
	s5 =	sand.u32 $0x380, s7;
	s2 =	sand.u32 $0x400, s6;
	[tilespmem:s26+$0xA080] =	vst v6;
	v6 =	vadd.s32 $0x1E, v2  }
0x11b: {  	s6 =	sand.u32 $0x70, s9;
	s2 =	sor.u32 s5, s2;
	v8 =	vld.idx.msk [tilespmem:v8+s4+$0x0], $0xffff;
	[tilespmem:s0+$0xC880] =	vst v5  }
0x11c: {  	s30 =	sor.u32 s6, s2;
	v5 =	vld.idx.msk [tilespmem:v9+s4+$0x0], $0xffff;
	v9 =	vadd.s32 $0x14, v0  }
0x11d: {  	v3 =	vld [tilespmem:s30+$0x880];
	[tilespmem:s28+$0x9080] =	vst v10;
	v10 =	vadd.s32 $0x2D, v7  }
0x11e: {  	[tilespmem:s29+$0xB880] =	vst v4;
	v11 =	vld.idx.msk [tilespmem:v11+s4+$0x0], $0xffff  }
0x11f: {  	v4 =	vld.idx.msk [tilespmem:v6+s4+$0x0], $0xffff;
	v6 =	vadd.s32 $0xA, v1  }
0x120: {  	[tilespmem:s26+$0xA880] =	vst v8;
	v8 =	vadd.s32 $0x23, v2  }
0x121: {  	v9 =	vld.idx.msk [tilespmem:v9+s4+$0x0], $0xffff;
	[tilespmem:s0+$0xD080] =	vst v5  }
0x122: {  	v5 =	vld.idx.msk [tilespmem:v10+s4+$0x0], $0xffff;
	v10 =	vadd.s32 $0x19, v0  }
0x123: {  	[tilespmem:s28+$0x9880] =	vst v11  }
0x124: {  	s11 =	simm.s32 $0x28;
	s10 =	simm.s32 $0x280;
	v11 =	vadd.s32 $0x32, v7;
	v6 =	vld.idx.msk [tilespmem:v6+s4+$0x0], $0xffff;
	[tilespmem:s29+$0xC080] =	vst v4  }
0x125: {  	s12 =	simm.s32 $0x50;
	s5 =	sand.u32 $0x380, s11;
	s2 =	sand.u32 $0x400, s10;
	v12 =	vadd.s32 $0xF, v1;
	v8 =	vld.idx.msk [tilespmem:v8+s4+$0x0], $0xffff  }
0x126: {  	s6 =	sand.u32 $0x70, s12;
	s2 =	sor.u32 s5, s2;
	v13 =	vld.idx.msk [tilespmem:v3+s4+$0x0], $0xffff;
	[tilespmem:s26+$0xB080] =	vst v9;
	v9 =	vadd.s32 $0x28, v2  }
0x127: {  	s31 =	sor.u32 s6, s2;
	v10 =	vld.idx.msk [tilespmem:v10+s4+$0x0], $0xffff  }
0x128: {  	v4 =	vld [tilespmem:s31+$0x880];
	[tilespmem:s0+$0xD880] =	vst v5;
	v5 =	vadd.s32 $0x5, v3  }
0x129: {  	v14 =	vadd.s32 $0x1E, v0;
	[tilespmem:s28+$0xA080] =	vst v6;
	v11 =	vld.idx.msk [tilespmem:v11+s4+$0x0], $0xffff  }
0x12a: {  	v6 =	vadd.s32 $0x37, v7;
	v12 =	vld.idx.msk [tilespmem:v12+s4+$0x0], $0xffff;
	[tilespmem:s29+$0xC880] =	vst v8  }
0x12b: {  	[tilespmem:s30+$0x9080] =	vst v13;
	v8 =	vld.idx.msk [tilespmem:v9+s4+$0x0], $0xffff;
	v9 =	vadd.s32 $0x14, v1  }
0x12c: {  	[tilespmem:s26+$0xB880] =	vst v10;
	v10 =	vadd.s32 $0x2D, v2  }
0x12d: {  	v13 =	vld.idx.msk [tilespmem:v5+s4+$0x0], $0xffff  }
0x12e: {  	v14 =	vld.idx.msk [tilespmem:v14+s4+$0x0], $0xffff;
	[tilespmem:s0+$0xE080] =	vst v11;
	v11 =	vadd.s32 $0xA, v3  }
0x12f: {  	v15 =	vadd.s32 $0x23, v0;
	[tilespmem:s28+$0xA880] =	vst v12;
	v6 =	vld.idx.msk [tilespmem:v6+s4+$0x0], $0xffff  }
0x130: {  	v12 =	vadd.s32 $0x3C, v7;
	v9 =	vld.idx.msk [tilespmem:v9+s4+$0x0], $0xffff;
	[tilespmem:s29+$0xD080] =	vst v8  }
0x131: {  	v8 =	vld.idx.msk [tilespmem:v10+s4+$0x0], $0xffff;
	v10 =	vadd.s32 $0x19, v1  }
0x132: {  	v16 =	vld.idx.msk [tilespmem:v4+s4+$0x0], $0xffff;
	[tilespmem:s30+$0x9880] =	vst v13;
	v13 =	vadd.s32 $0x32, v2  }
0x133: {  	v11 =	vld.idx.msk [tilespmem:v11+s4+$0x0], $0xffff;
	[tilespmem:s26+$0xC080] =	vst v14  }
0x134: {  	s7 =	simm.s32 $0x300;
	s9 =	simm.s32 $0x30;
	v14 =	vld.idx.msk [tilespmem:v15+s4+$0x0], $0xffff;
	[tilespmem:s0+$0xE880] =	vst v6;
	v6 =	vadd.s32 $0xF, v3  }
0x135: {  	s10 =	simm.s32 $0x60;
	s5 =	sand.u32 $0x380, s9;
	s2 =	sand.u32 $0x400, s7;
	v15 =	vadd.s32 $0x28, v0;
	v12 =	vld.idx.msk [tilespmem:v12+s4+$0x0], $0xffff;
	[tilespmem:s28+$0xB080] =	vst v9  }
0x136: {  	s6 =	sand.u32 $0x70, s10;
	s2 =	sor.u32 s5, s2;
	v9 =	vadd.s32 $0x41, v7;
	v10 =	vld.idx.msk [tilespmem:v10+s4+$0x0], $0xffff;
	[tilespmem:s29+$0xD880] =	vst v8  }
0x137: {  	s2 =	sor.u32 s6, s2;
	[tilespmem:s31+$0x9080] =	vst v16;
	v8 =	vadd.s32 $0x5, v4;
	v13 =	vld.idx.msk [tilespmem:v13+s4+$0x0], $0xffff  }
0x138: {  	v5 =	vld [tilespmem:s2+$0x880];
	[tilespmem:s30+$0xA080] =	vst v11;
	v11 =	vadd.s32 $0x1E, v1  }
0x139: {  	v17 =	vld.idx.msk [tilespmem:v6+s4+$0x0], $0xffff;
	[tilespmem:s26+$0xC880] =	vst v14;
	v6 =	vadd.s32 $0x37, v2  }
0x13a: {  	v14 =	vld.idx.msk [tilespmem:v15+s4+$0x0], $0xffff;
	[tilespmem:s0+$0xF080] =	vst v12;
	v12 =	vadd.s32 $0x14, v3  }
0x13b: {  	v9 =	vld.idx.msk [tilespmem:v9+s4+$0x0], $0xffff;
	[tilespmem:s28+$0xB880] =	vst v10;
	v10 =	vadd.s32 $0x2D, v0  }
0x13c: {  	v8 =	vld.idx.msk [tilespmem:v8+s4+$0x0], $0xffff;
	[tilespmem:s29+$0xE080] =	vst v13;
	v13 =	vadd.s32 $0x46, v7  }
0x13d: {  	v15 =	vadd.s32 $0xA, v4;
	v11 =	vld.idx.msk [tilespmem:v11+s4+$0x0], $0xffff  }
0x13e: {  	v16 =	vld.idx.msk [tilespmem:v6+s4+$0x0], $0xffff;
	[tilespmem:s30+$0xA880] =	vst v17;
	v17 =	vadd.s32 $0x23, v1  }
0x13f: {  	v12 =	vld.idx.msk [tilespmem:v12+s4+$0x0], $0xffff;
	[tilespmem:s26+$0xD080] =	vst v14;
	v14 =	vadd.s32 $0x3C, v2  }
0x140: {  	[tilespmem:s0+$0xF880] =	vst v9;
	v10 =	vld.idx.msk [tilespmem:v10+s4+$0x0], $0xffff  }
0x141: {  	[tilespmem:s31+$0x9880] =	vst v8;
	v9 =	vld.idx.msk [tilespmem:v13+s4+$0x0], $0xffff  }
0x142: {  	s11 =	simm.s32 $0x380;
	s12 =	simm.s32 $0x38;
	v8 =	vadd.s32 $0x19, v3;
	v15 =	vld.idx.msk [tilespmem:v15+s4+$0x0], $0xffff;
	[tilespmem:s28+$0xC080] =	vst v11  }
0x143: {  	s7 =	simm.s32 $0x70;
	s5 =	sand.u32 $0x400, s11;
	s6 =	sand.u32 $0x380, s12;
	v11 =	vadd.s32 $0x32, v0;
	v17 =	vld.idx.msk [tilespmem:v17+s4+$0x0], $0xffff;
	[tilespmem:s29+$0xE880] =	vst v16  }
0x144: {  	s7 =	sand.u32 $0x70, s7;
	s5 =	sor.u32 s6, s5;
	v7 =	vadd.s32 $0x4B, v7;
	v14 =	vld.idx.msk [tilespmem:v14+s4+$0x0], $0xffff;
	[tilespmem:s30+$0xB080] =	vst v12  }
0x145: {  	s11 =	sor.u32 s7, s5;
	v18 =	vld.idx.msk [tilespmem:v5+s4+$0x0], $0xffff;
	v16 =	vadd.s32 $0xF, v4;
	[tilespmem:s26+$0xD880] =	vst v10  }
0x146: {  	v6 =	vld [tilespmem:s11+$0x880];
	v12 =	vadd.s32 $0x28, v1;
	[tilespmem:s0+$0x10080] =	vst v9  }
0x147: {  	v13 =	vld.idx.msk [tilespmem:v8+s4+$0x0], $0xffff;
	v8 =	vadd.s32 $0x41, v2;
	[tilespmem:s31+$0xA080] =	vst v15  }
0x148: {  	v11 =	vld.idx.msk [tilespmem:v11+s4+$0x0], $0xffff;
	[tilespmem:s28+$0xC880] =	vst v17;
	v17 =	vadd.s32 $0x5, v5  }
0x149: {  	v10 =	vld.idx.msk [tilespmem:v7+s4+$0x0], $0xffff;
	[tilespmem:s29+$0xF080] =	vst v14;
	v14 =	vadd.s32 $0x1E, v3  }
0x14a: {  	v9 =	vadd.s32 $0x37, v0;
	v15 =	vld.idx.msk [tilespmem:v16+s4+$0x0], $0xffff  }
0x14b: {  	v7 =	vld.idx.msk [tilespmem:v12+s4+$0x0], $0xffff  }
0x14c: {  	s12 =	simm.s32 $0x400;
	s5 =	simm.s32 $0x80;
	s7 =	simm.s32 $0x40;
	[tilespmem:s2+$0x9080] =	vst v18;
	v16 =	vadd.s32 $0x14, v4;
	v12 =	vmov v6;
	v8 =	vld.idx.msk [tilespmem:v8+s4+$0x0], $0xffff  }
.LBB2_5:
0x14d: {  	s6 =	sand.u32 $0x400, s12;
	s9 =	sand.u32 $0x380, s7;
	p1 =	sne.s32 s7, $0x3F8;
	v17 =	vld.idx.msk [tilespmem:v17+s4+$0x0], $0xffff;
	[tilespmem:s30+$0xB880] =	vst v13;
	v13 =	vadd.s32 $0x2D, v1  }
0x14e: {  	s10 =	sand.u32 $0x70, s5;
	s6 =	sor.u32 s9, s6;
	v14 =	vld.idx.msk [tilespmem:v14+s4+$0x0], $0xffff;
	[tilespmem:s26+$0xE080] =	vst v11;
	v11 =	vadd.s32 $0x46, v2  }
0x14f: {  	v18 =	vadd.s32 $0xA, v5;
	s6 =	sor.u32 s10, s6;
	v9 =	vld.idx.msk [tilespmem:v9+s4+$0x0], $0xffff;
	[tilespmem:s0+$0x10880] =	vst v10;
	s0 =	smov.u32 s29;
	s29 =	smov.u32 s26  }
0x150: {  	s26 =	smov.u32 s28;
	s28 =	smov.u32 s30;
	s30 =	smov.u32 s31;
	v10 =	vld [tilespmem:s6+$0x880];
	[tilespmem:s31+$0xA880] =	vst v15;
	v15 =	vadd.s32 $0x23, v3  }
0x151: {  	s31 =	smov.u32 s2;
	s2 =	smov.u32 s11;
	s11 =	smov.u32 s6;
	v16 =	vld.idx.msk [tilespmem:v16+s4+$0x0], $0xffff;
	[tilespmem:s26+$0xD080] =	vst v7;
	v7 =	vadd.s32 $0x3C, v0  }
0x152: {  	v19 =	vld.idx.msk [tilespmem:v13+s4+$0x0], $0xffff;
	[tilespmem:s0+$0xF880] =	vst v8  }
0x153: {  	v8 =	vadd.s32 $0x19, v4;
	[tilespmem:s31+$0x9880] =	vst v17;
	v20 =	vld.idx.msk [tilespmem:v11+s4+$0x0], $0xffff  }
0x154: {  	v11 =	vadd.s32 $0x32, v1;
	v18 =	vld.idx.msk [tilespmem:v18+s4+$0x0], $0xffff;
	[tilespmem:s28+$0xC080] =	vst v14  }
0x155: {  	v21 =	vld.idx.msk [tilespmem:v15+s4+$0x0], $0xffff;
	[tilespmem:s29+$0xE880] =	vst v9;
	v9 =	vadd.s32 $0x4B, v2;
	v2 =	vmovc v0;
	v0 =	vmovc v1;
	v1 =	vmov v3;
	v3 =	vmov v4  }
0x156: {  	v15 =	vadd.s32 $0xF, v5;
	v4 =	vmovc v5;
	v5 =	vmov v6;
	v6 =	vmov v10;
	v22 =	vld.idx.msk [tilespmem:v7+s4+$0x0], $0xffff  }
0x157: {  	v7 =	vadd.s32 $0x28, v1;
	v23 =	vld.idx.msk [tilespmem:v12+s4+$0x0], $0xffff;
	[tilespmem:s30+$0xB080] =	vst v16;
	v12 =	vmov v10  }
0x158: {  	v13 =	vld.idx.msk [tilespmem:v8+s4+$0x0], $0xffff;
	[tilespmem:s26+$0xD880] =	vst v19;
	v8 =	vadd.s32 $0x41, v2  }
.Ltmp1:
0x159: {  	v17 =	vadd.s32 $0x5, v5;
	v11 =	vld.idx.msk [tilespmem:v11+s4+$0x0], $0xffff;
	[tilespmem:s0+$0x10080] =	vst v20;
	(pc) =	sbr.rel @p1 .LBB2_5-.Ltmp1, $4  }
0x15a: {  	v14 =	vadd.s32 $0x1E, v3;
	[tilespmem:s31+$0xA080] =	vst v18;
	v10 =	vld.idx.msk [tilespmem:v9+s4+$0x0], $0xffff  }
0x15b: {  	v9 =	vadd.s32 $0x37, v0;
	v15 =	vld.idx.msk [tilespmem:v15+s4+$0x0], $0xffff;
	[tilespmem:s28+$0xC880] =	vst v21  }
0x15c: {  	v7 =	vld.idx.msk [tilespmem:v7+s4+$0x0], $0xffff;
	[tilespmem:s29+$0xF080] =	vst v22  }
0x15d: {  	s12 =	sadd.s32 $0x80, s12;
	s5 =	sadd.s32 $0x10, s5;
	s7 =	sadd.s32 $0x8, s7;
	v16 =	vadd.s32 $0x14, v4;
	[tilespmem:s2+$0x9080] =	vst v23;
	v8 =	vld.idx.msk [tilespmem:v8+s4+$0x0], $0xffff  }
0x15e: {  	_ =	sdelay $0x3  }
0x15f: {  	v12 =	vld.idx.msk [tilespmem:v12+s4+$0x0], $0xffff  }
0x160: {  	v18 =	vadd.s32 $0x5, v6;
	_ =	sdelay $0x3  }
0x161: {  	v17 =	vld.idx.msk [tilespmem:v17+s4+$0x0], $0xffff;
	[tilespmem:s11+$0x9080] =	vst v12  }
0x162: {  	v35 =	vadd.s32 $0xA, v5;
	v18 =	vld.idx.msk [tilespmem:v18+s4+$0x0], $0xffff  }
0x163: {  	v19 =	vadd.s32 $0xA, v6;
	_ =	sdelay $0x2  }
0x164: {  	[tilespmem:s2+$0x9880] =	vst v17  }
0x165: {  	v12 =	vld.idx.msk [tilespmem:v35+s4+$0x0], $0xffff;
	[tilespmem:s11+$0x9880] =	vst v18  }
0x166: {  	v36 =	vadd.s32 $0xF, v5;
	v18 =	vld.idx.msk [tilespmem:v19+s4+$0x0], $0xffff  }
0x167: {  	v37 =	vadd.s32 $0xF, v6;
	_ =	sdelay $0x2  }
0x168: {  	[tilespmem:s2+$0xA080] =	vst v12  }
0x169: {  	v12 =	vld.idx.msk [tilespmem:v36+s4+$0x0], $0xffff;
	[tilespmem:s11+$0xA080] =	vst v18  }
0x16a: {  	v38 =	vadd.s32 $0x14, v5;
	v18 =	vld.idx.msk [tilespmem:v37+s4+$0x0], $0xffff  }
0x16b: {  	v39 =	vadd.s32 $0x14, v6;
	_ =	sdelay $0x1  }
0x16c: {  	[tilespmem:s31+$0xA880] =	vst v15  }
0x16d: {  	v15 =	vld.idx.msk [tilespmem:v16+s4+$0x0], $0xffff;
	[tilespmem:s2+$0xA880] =	vst v12  }
0x16e: {  	v40 =	vadd.s32 $0x19, v4;
	v41 =	vld.idx.msk [tilespmem:v38+s4+$0x0], $0xffff;
	[tilespmem:s11+$0xA880] =	vst v18  }
0x16f: {  	v42 =	vadd.s32 $0x19, v5;
	v18 =	vld.idx.msk [tilespmem:v39+s4+$0x0], $0xffff  }
0x170: {  	v43 =	vadd.s32 $0x19, v6;
	_ =	sdelay $0x1  }
0x171: {  	[tilespmem:s31+$0xB080] =	vst v15  }
0x172: {  	v12 =	vld.idx.msk [tilespmem:v40+s4+$0x0], $0xffff;
	[tilespmem:s2+$0xB080] =	vst v41  }
0x173: {  	v44 =	vadd.s32 $0x1E, v4;
	v16 =	vld.idx.msk [tilespmem:v42+s4+$0x0], $0xffff;
	[tilespmem:s11+$0xB080] =	vst v18  }
0x174: {  	v45 =	vadd.s32 $0x1E, v5;
	v18 =	vld.idx.msk [tilespmem:v43+s4+$0x0], $0xffff  }
0x175: {  	v46 =	vadd.s32 $0x1E, v6  }
0x176: {  	[tilespmem:s30+$0xB880] =	vst v13  }
0x177: {  	v13 =	vld.idx.msk [tilespmem:v14+s4+$0x0], $0xffff;
	[tilespmem:s31+$0xB880] =	vst v12  }
0x178: {  	v47 =	vadd.s32 $0x23, v3;
	v48 =	vld.idx.msk [tilespmem:v44+s4+$0x0], $0xffff;
	[tilespmem:s2+$0xB880] =	vst v16  }
0x179: {  	v49 =	vadd.s32 $0x23, v4;
	v16 =	vld.idx.msk [tilespmem:v45+s4+$0x0], $0xffff;
	[tilespmem:s11+$0xB880] =	vst v18  }
0x17a: {  	v50 =	vadd.s32 $0x23, v5;
	v18 =	vld.idx.msk [tilespmem:v46+s4+$0x0], $0xffff  }
0x17b: {  	v51 =	vadd.s32 $0x23, v6  }
0x17c: {  	[tilespmem:s30+$0xC080] =	vst v13  }
0x17d: {  	v12 =	vld.idx.msk [tilespmem:v47+s4+$0x0], $0xffff;
	[tilespmem:s31+$0xC080] =	vst v48  }
0x17e: {  	v52 =	vadd.s32 $0x28, v3;
	v14 =	vld.idx.msk [tilespmem:v49+s4+$0x0], $0xffff;
	[tilespmem:s2+$0xC080] =	vst v16  }
0x17f: {  	v53 =	vadd.s32 $0x28, v4;
	v16 =	vld.idx.msk [tilespmem:v50+s4+$0x0], $0xffff;
	[tilespmem:s11+$0xC080] =	vst v18  }
0x180: {  	[tilespmem:s26+$0xE080] =	vst v11;
	v54 =	vadd.s32 $0x28, v5;
	v55 =	vld.idx.msk [tilespmem:v51+s4+$0x0], $0xffff  }
0x181: {  	v56 =	vadd.s32 $0x28, v6;
	[tilespmem:s0+$0x10880] =	vst v10  }
0x182: {  	[tilespmem:s30+$0xC880] =	vst v12  }
0x183: {  	v57 =	vadd.s32 $0x2D, v1;
	v13 =	vld.idx.msk [tilespmem:v52+s4+$0x0], $0xffff;
	[tilespmem:s31+$0xC880] =	vst v14  }
0x184: {  	v58 =	vadd.s32 $0x2D, v3;
	v15 =	vld.idx.msk [tilespmem:v53+s4+$0x0], $0xffff;
	[tilespmem:s2+$0xC880] =	vst v16  }
0x185: {  	v59 =	vadd.s32 $0x2D, v4;
	v11 =	vld.idx.msk [tilespmem:v54+s4+$0x0], $0xffff;
	[tilespmem:s11+$0xC880] =	vst v55  }
0x186: {  	v60 =	vadd.s32 $0x2D, v5;
	[tilespmem:s28+$0xD080] =	vst v7;
	v10 =	vld.idx.msk [tilespmem:v56+s4+$0x0], $0xffff  }
0x187: {  	v61 =	vadd.s32 $0x2D, v6;
	v9 =	vld.idx.msk [tilespmem:v9+s4+$0x0], $0xffff;
	[tilespmem:s29+$0xF880] =	vst v8  }
0x188: {  	v62 =	vadd.s32 $0x46, v2;
	v12 =	vld.idx.msk [tilespmem:v57+s4+$0x0], $0xffff;
	[tilespmem:s30+$0xD080] =	vst v13  }
0x189: {  	v63 =	vadd.s32 $0x32, v1;
	v14 =	vld.idx.msk [tilespmem:v58+s4+$0x0], $0xffff;
	[tilespmem:s31+$0xD080] =	vst v15  }
0x18a: {  	v20 =	vadd.s32 $0x32, v3;
	v16 =	vld.idx.msk [tilespmem:v59+s4+$0x0], $0xffff;
	[tilespmem:s2+$0xD080] =	vst v11  }
0x18b: {  	v21 =	vadd.s32 $0x32, v4;
	v7 =	vld.idx.msk [tilespmem:v60+s4+$0x0], $0xffff;
	[tilespmem:s11+$0xD080] =	vst v10  }
0x18c: {  	v22 =	vadd.s32 $0x32, v5;
	[tilespmem:s26+$0xE880] =	vst v9;
	v8 =	vld.idx.msk [tilespmem:v61+s4+$0x0], $0xffff  }
0x18d: {  	v24 =	vadd.s32 $0x32, v6;
	v23 =	vld.idx.msk [tilespmem:v62+s4+$0x0], $0xffff;
	[tilespmem:s28+$0xD880] =	vst v12  }
0x18e: {  	v25 =	vadd.s32 $0x3C, v0;
	v13 =	vld.idx.msk [tilespmem:v63+s4+$0x0], $0xffff;
	[tilespmem:s30+$0xD880] =	vst v14  }
0x18f: {  	v26 =	vadd.s32 $0x37, v1;
	v15 =	vld.idx.msk [tilespmem:v20+s4+$0x0], $0xffff;
	[tilespmem:s31+$0xD880] =	vst v16  }
0x190: {  	v27 =	vadd.s32 $0x37, v3;
	v11 =	vld.idx.msk [tilespmem:v21+s4+$0x0], $0xffff;
	[tilespmem:s2+$0xD880] =	vst v7  }
0x191: {  	v28 =	vadd.s32 $0x37, v4;
	v9 =	vld.idx.msk [tilespmem:v22+s4+$0x0], $0xffff;
	[tilespmem:s11+$0xD880] =	vst v8  }
0x192: {  	v29 =	vadd.s32 $0x37, v5;
	[tilespmem:s29+$0x10080] =	vst v23;
	v30 =	vld.idx.msk [tilespmem:v24+s4+$0x0], $0xffff  }
0x193: {  	v32 =	vadd.s32 $0x37, v6;
	v31 =	vld.idx.msk [tilespmem:v25+s4+$0x0], $0xffff;
	[tilespmem:s28+$0xE080] =	vst v13  }
0x194: {  	v33 =	vadd.s32 $0x4B, v2;
	v14 =	vld.idx.msk [tilespmem:v26+s4+$0x0], $0xffff;
	[tilespmem:s30+$0xE080] =	vst v15  }
0x195: {  	v34 =	vadd.s32 $0x3C, v1;
	v16 =	vld.idx.msk [tilespmem:v27+s4+$0x0], $0xffff;
	[tilespmem:s31+$0xE080] =	vst v11  }
0x196: {  	v35 =	vadd.s32 $0x3C, v3;
	v7 =	vld.idx.msk [tilespmem:v28+s4+$0x0], $0xffff;
	[tilespmem:s2+$0xE080] =	vst v9  }
0x197: {  	v36 =	vadd.s32 $0x3C, v4;
	v8 =	vld.idx.msk [tilespmem:v29+s4+$0x0], $0xffff;
	[tilespmem:s11+$0xE080] =	vst v30  }
0x198: {  	[tilespmem:s26+$0xF080] =	vst v31;
	v37 =	vadd.s32 $0x3C, v5;
	v38 =	vld.idx.msk [tilespmem:v32+s4+$0x0], $0xffff  }
0x199: {  	v2 =	vld.idx.msk [tilespmem:v33+s4+$0x0], $0xffff;
	v39 =	vadd.s32 $0x3C, v6;
	[tilespmem:s28+$0xE880] =	vst v14  }
0x19a: {  	v40 =	vadd.s32 $0x41, v0;
	v15 =	vld.idx.msk [tilespmem:v34+s4+$0x0], $0xffff;
	[tilespmem:s30+$0xE880] =	vst v16  }
0x19b: {  	v41 =	vadd.s32 $0x41, v1;
	v11 =	vld.idx.msk [tilespmem:v35+s4+$0x0], $0xffff;
	[tilespmem:s31+$0xE880] =	vst v7  }
0x19c: {  	v42 =	vadd.s32 $0x41, v3;
	v9 =	vld.idx.msk [tilespmem:v36+s4+$0x0], $0xffff;
	[tilespmem:s2+$0xE880] =	vst v8  }
0x19d: {  	v43 =	vadd.s32 $0x41, v4;
	v10 =	vld.idx.msk [tilespmem:v37+s4+$0x0], $0xffff;
	[tilespmem:s11+$0xE880] =	vst v38  }
0x19e: {  	[tilespmem:s29+$0x10880] =	vst v2;
	v44 =	vadd.s32 $0x41, v5;
	v12 =	vld.idx.msk [tilespmem:v39+s4+$0x0], $0xffff  }
0x19f: {  	v45 =	vld.idx.msk [tilespmem:v40+s4+$0x0], $0xffff;
	v46 =	vadd.s32 $0x41, v6;
	[tilespmem:s28+$0xF080] =	vst v15  }
0x1a0: {  	v47 =	vadd.s32 $0x46, v0;
	v16 =	vld.idx.msk [tilespmem:v41+s4+$0x0], $0xffff;
	[tilespmem:s30+$0xF080] =	vst v11  }
0x1a1: {  	v48 =	vadd.s32 $0x46, v1;
	v7 =	vld.idx.msk [tilespmem:v42+s4+$0x0], $0xffff;
	[tilespmem:s31+$0xF080] =	vst v9  }
0x1a2: {  	v49 =	vadd.s32 $0x46, v3;
	v8 =	vld.idx.msk [tilespmem:v43+s4+$0x0], $0xffff;
	[tilespmem:s2+$0xF080] =	vst v10  }
0x1a3: {  	v50 =	vadd.s32 $0x46, v4;
	v2 =	vld.idx.msk [tilespmem:v44+s4+$0x0], $0xffff;
	[tilespmem:s11+$0xF080] =	vst v12  }
0x1a4: {  	[tilespmem:s26+$0xF880] =	vst v45;
	v51 =	vadd.s32 $0x46, v5;
	v52 =	vld.idx.msk [tilespmem:v46+s4+$0x0], $0xffff  }
0x1a5: {  	v53 =	vld.idx.msk [tilespmem:v47+s4+$0x0], $0xffff;
	v54 =	vadd.s32 $0x46, v6;
	[tilespmem:s28+$0xF880] =	vst v16  }
0x1a6: {  	v55 =	vadd.s32 $0x4B, v0;
	v11 =	vld.idx.msk [tilespmem:v48+s4+$0x0], $0xffff;
	[tilespmem:s30+$0xF880] =	vst v7  }
0x1a7: {  	v56 =	vadd.s32 $0x4B, v1;
	v7 =	vld.idx.msk [tilespmem:v49+s4+$0x0], $0xffff;
	[tilespmem:s31+$0xF880] =	vst v8  }
0x1a8: {  	v57 =	vadd.s32 $0x4B, v3;
	v8 =	vld.idx.msk [tilespmem:v50+s4+$0x0], $0xffff;
	[tilespmem:s2+$0xF880] =	vst v2  }
0x1a9: {  	v58 =	vadd.s32 $0x4B, v4;
	v59 =	vld.idx.msk [tilespmem:v51+s4+$0x0], $0xffff;
	[tilespmem:s11+$0xF880] =	vst v52  }
0x1aa: {  	[tilespmem:s26+$0x10080] =	vst v53;
	v60 =	vadd.s32 $0x4B, v5;
	v61 =	vld.idx.msk [tilespmem:v54+s4+$0x0], $0xffff  }
0x1ab: {  	v62 =	vadd.s32 $0x4B, v6;
	v0 =	vld.idx.msk [tilespmem:v55+s4+$0x0], $0xffff;
	[tilespmem:s28+$0x10080] =	vst v11  }
0x1ac: {  	v1 =	vld.idx.msk [tilespmem:v56+s4+$0x0], $0xffff;
	[tilespmem:s30+$0x10080] =	vst v7  }
0x1ad: {  	v3 =	vld.idx.msk [tilespmem:v57+s4+$0x0], $0xffff;
	[tilespmem:s31+$0x10080] =	vst v8  }
0x1ae: {  	v2 =	vld.idx.msk [tilespmem:v58+s4+$0x0], $0xffff;
	[tilespmem:s2+$0x10080] =	vst v59  }
0x1af: {  	v4 =	vld.idx.msk [tilespmem:v60+s4+$0x0], $0xffff;
	[tilespmem:s11+$0x10080] =	vst v61  }
0x1b0: {  	[tilespmem:s26+$0x10880] =	vst v0;
	v63 =	vld.idx.msk [tilespmem:v62+s4+$0x0], $0xffff  }
0x1b1: {  	s0 =	sadd.s32 @!p0 $0x3, s23;
	[tilespmem:s28+$0x10880] =	vst v1  }
0x1b2: {  	s5 =	sshrl.u32 @!p0 s0, $0x3;
	s0 =	sshll.u32 @!p0 s0, $0x8;
	[tilespmem:s30+$0x10880] =	vst v3  }
0x1b3: {  	s5 =	sadd.s32 @!p0 s8, s5;
	s0 =	sand.u32 @!p0 $0x700, s0;
	[tilespmem:s31+$0x10880] =	vst v2  }
0x1b4: {  	s22 =	sadd.s32 $0x1, s22;
	s0 =	sadd.s32 @!p0 s1, s0;
	[tilespmem:s2+$0x10880] =	vst v4;
	s2 =	sshll.u32 @!p0 s5, $0xB  }
0x1b5: {  	s5 =	simm.s32 @!p0 $0x880;
	s0 =	sadd.s32 @!p0 s2, s0;
	s2 =	simm.s32 @!p0 $0x0;
	[tilespmem:s11+$0x10880] =	vst v63  }
0x1b6: {  	[tilespmem:s5], [sflag:$0x2] =	stream.linear.gather @!p0 [hbm4b:s0+s2], $0x800, $0x38;
	[tilespmem:$0x11080] =	vst v63  }
0x1b7: {  	p0 =	sne.s32 s22, $0x20  }
.Ltmp2:
0x1b8: {  	_ = 	snop;
	(pc) =	sbr.rel @p0 .LBB2_2-.Ltmp2, $4  }
0x1b9: {  	s31 =	sadd.s32 s25, s3  }
0x1ba: {  	s0 =	sadd.s32 s24, s31  }
0x1bb: {  	s0 =	sadd.s32 $0x100, s0  }
0x1bc: {  	[hbm4b:s0+s14] =	stream.strided.scatter [tilespmem:s18], [sflag:$0x4], $0x8000, s15, s14, $0x38;
	[tilespmem:$0x11080] =	vst v63  }
0x1bd: {  	_ =	swait.ge [sflag:s19], $0x8000  }
0x1be: {  	[sflag:s19] =	ssyncset.done $0x0  }
0x1bf: {  	[sflag:s19] =	ssyncadd.s32 $0xFFFF8000  }
0x1c0: {  	_ =	swait.ge [sflag:s20], $0x8000  }
0x1c1: {  	s21 =	sadd.s32 $0x1, s21;
	s0 =	rddreg [dreg:$0x7]  }
0x1c2: {  	p0 =	sne.s32 s21, s0  }
.Ltmp3:
0x1c3: {  	_ = 	snop;
	(pc) =	sbr.rel @p0 .LBB2_1-.Ltmp3, $3  }
0x1c4: {  	_ =	sdelay $0x1  }
0x1c5: {  	[sflag:s20] =	ssyncset.done $0x0  }
0x1c6: {  	[sflag:s20] =	ssyncadd.s32 $0xFFFF8000  }
0x1c7: {  	_ =	sfence.sel $0x180000  }
0x1c8: {  	[bflag:$0x0] =	sbarrier.arrive $0xFFFF  }
0x1c9: {  	_ =	strace $0x90000047  }
0x1ca: {  	s0 =	stileid.u32;
	[bflag:$0x2] =	sbarrier.arrive $0xFFFF  }
0x1cb: {  	p0 =	sne.s32 s0, $0x0;
	s0 =	rddreg [dreg:$0x3]  }
0x1cc: {  	s0 =	sadd.s32 @!p0 $0x100000, s0  }
0x1cd: {  	[sflag:s0] =	ssyncadd.tile.s32 @!p0 $0x1;
	_ =	shalt  }
.Lfunc_end2:
_tile_overlayer_lowered:
.L_overlay_start_2:
0x1ce: {  	(tag) =	ssettag $0x2  }
0x1cf: {  	s0 =	rddreg [dreg:$0x0];
	s2 =	stileid.u32  }
0x1d0: {  	s1 =	rddreg [dreg:$0x1];
	p0 =	sne.s32 s2, $0x0  }
0x1d1: {  	s3 =	rddreg [dreg:$0x2];
	[bflag:$0x3] =	sbarrier.arrive $0xFFFF;
	s2 =	simm.s32 @!p0 $0x1C05  }
0x1d2: {  	[timem:s3], [sflag:s2] =	dma.local @!p0 [hbm:s0], s1  }
0x1d3: {  	s0 =	simm.s32 @!p0 $0x5  }
0x1d4: {  	_ =	swait.ge @!p0 [sflag:s0], s1  }
0x1d5: {  	s1 =	ssub.s32 @!p0 $0x0, s1;
	[sflag:s0] =	ssyncset.done @!p0 $0x0  }
0x1d6: {  	[sflag:s0] =	ssyncadd.s32 @!p0 s1  }
0x1d7: {  	[bflag:$0x3] =	sbarrier.arrive $0xFFFF  }
0x1d8: {  	_ =	shalt  }

</sc_bundles>
